<compile_context>
chip_gen: v7x
topology: tpu7x:2x2x1
jax: 0.10.2.dev20260603
libtpu: 0.0.44.dev20260713+nightly
codegen_flags: <defaults>
</compile_context>

<pallas_src>
import functools

import jax
import jax.numpy as jnp
from jax import lax
from jax.experimental import pallas as pl
from jax.experimental.pallas import tpu as pltpu
from jax.experimental.pallas import tpu_sc as plsc

N = 4096
L = 16
NC = 2
NS = 16
NW = NC * NS
ROWS_PER_W = N // NW
RBLK = 4
NBLK = ROWS_PER_W // RBLK
CHUNKS = N // L

_mesh = plsc.VectorSubcoreMesh(core_axis_name="c", subcore_axis_name="s")


@functools.partial(
    pl.kernel,
    out_type=jax.ShapeDtypeStruct((N, N), jnp.float32),
    mesh=_mesh,
    scratch_types=[
        pltpu.VMEM((RBLK, N), jnp.float32),
        pltpu.VMEM((RBLK, N), jnp.float32),
        pltpu.VMEM((RBLK, N), jnp.float32),
        pltpu.VMEM((RBLK, N), jnp.float32),
        pltpu.VMEM((RBLK, N), jnp.float32),
        pltpu.VMEM((RBLK, N), jnp.float32),
        pltpu.SemaphoreType.DMA,
        pltpu.SemaphoreType.DMA,
        pltpu.SemaphoreType.DMA,
        pltpu.SemaphoreType.DMA,
    ],
    compiler_params=pltpu.CompilerParams(needs_layout_passes=False),
)
def _masked_cumsum_sc(x_hbm, m_hbm, out_hbm, xv0, xv1, mv0, mv1, ov0, ov1,
                      sin0, sin1, sout0, sout1):
    wid = lax.axis_index("s") * NC + lax.axis_index("c")
    row0 = wid * ROWS_PER_W

    def blk_row(b):
        return row0 + jnp.minimum(b, NBLK - 1) * RBLK

    def start_in(b, xv, mv, sem):
        r = blk_row(b)
        pltpu.make_async_copy(x_hbm.at[pl.ds(r, RBLK)], xv, sem).start()
        pltpu.make_async_copy(m_hbm.at[pl.ds(r, RBLK)], mv, sem).start()

    def wait_in(xv, mv, sem):
        pltpu.make_async_copy(x_hbm.at[pl.ds(row0, RBLK)], xv, sem).wait()
        pltpu.make_async_copy(m_hbm.at[pl.ds(row0, RBLK)], mv, sem).wait()

    def start_out(b, ov, sem):
        r = blk_row(b)
        pltpu.make_async_copy(ov, out_hbm.at[pl.ds(r, RBLK)], sem).start()

    def wait_out(ov, sem):
        pltpu.make_async_copy(ov, out_hbm.at[pl.ds(row0, RBLK)], sem).wait()

    def compute_block(xv, mv, ov):
        def chunk(i, carries):
            sl = pl.ds(i * L, L)
            new = []
            for rr in range(RBLK):
                masked = xv[rr, sl] * mv[rr, sl]
                s = jnp.cumsum(masked)
                ov[rr, sl] = s + carries[rr]
                new.append(s[L - 1] + carries[rr])
            return tuple(new)

        lax.fori_loop(0, CHUNKS, chunk, (jnp.float32(0.0),) * RBLK)

    def do_pair(k, carry_unused):
        b0 = 2 * k
        b1 = 2 * k + 1
        wait_in(xv0, mv0, sin0)

        @pl.when(k > 0)
        def _():
            wait_out(ov0, sout0)

        compute_block(xv0, mv0, ov0)
        start_out(b0, ov0, sout0)
        start_in(b0 + 2, xv0, mv0, sin0)
        wait_in(xv1, mv1, sin1)

        @pl.when(k > 0)
        def _():
            wait_out(ov1, sout1)

        compute_block(xv1, mv1, ov1)
        start_out(b1, ov1, sout1)
        start_in(b1 + 2, xv1, mv1, sin1)
        return carry_unused

    start_in(0, xv0, mv0, sin0)
    start_in(1, xv1, mv1, sin1)
    lax.fori_loop(0, NBLK // 2, do_pair, 0)
    wait_out(ov0, sout0)
    wait_out(ov1, sout1)
    wait_in(xv0, mv0, sin0)
    wait_in(xv1, mv1, sin1)


def kernel(x, mask):
    return _masked_cumsum_sc(x, mask.astype(jnp.float32))

# --- scband reference (transcript-rebuilt; emitter-appended) ---
"""Pipeline reference for scband-model-new-63582695850128 (READ-ONLY COPY).

The authoritative reference and input builder live on the scoring server;
editing this copy changes nothing except your own understanding.
"""

import jax, jax.numpy as jnp
import numpy as np


def setup_inputs(seed: int = 0) -> dict:
    key = jax.random.key(seed)
    k1, k2 = jax.random.split(key)
    x = jax.random.normal(k1, (4096, 4096), dtype=jnp.float32)
    mask = jax.random.randint(k2, (4096, 4096), 0, 2).astype(jnp.bool_)
    return {"x": x, "mask": mask}


def reference(x, mask):
    # The CUDA kernel performs, per row (size dim), a sequential scan over the
    # stride dim: cumsum accumulates x[index] only where mask[index] is True,
    # and the running cumsum value is written to out[index] at every position.
    # This is exactly cumsum(where(mask, x, 0), axis=1).
    masked = jnp.where(mask, x, jnp.zeros_like(x))
    return jnp.cumsum(masked, axis=1)

if __name__ == "__main__":
    import jax
    _d = setup_inputs()
    print(jax.jit(kernel)(*tuple(_d.values())))

</pallas_src>

<mosaic_0001>
#map = affine_map<(d0, d1) -> (0, 0)>
module attributes {stable_mosaic.version = 14 : i64} {
  func.func @_masked_cumsum_sc(%arg0: i32, %arg1: i32, %arg2: memref<4096x4096xf32, #tpu.memory_space<hbm>>, %arg3: memref<4096x4096xf32, #tpu.memory_space<hbm>>, %arg4: memref<4096x4096xf32, #tpu.memory_space<hbm>>, %arg5: memref<4x4096xf32, #tpu.memory_space<vmem>>, %arg6: memref<4x4096xf32, #tpu.memory_space<vmem>>, %arg7: memref<4x4096xf32, #tpu.memory_space<vmem>>, %arg8: memref<4x4096xf32, #tpu.memory_space<vmem>>, %arg9: memref<4x4096xf32, #tpu.memory_space<vmem>>, %arg10: memref<4x4096xf32, #tpu.memory_space<vmem>>, %arg11: memref<!tpu.dma_semaphore, #tpu.memory_space<semaphore_mem>>, %arg12: memref<!tpu.dma_semaphore, #tpu.memory_space<semaphore_mem>>, %arg13: memref<!tpu.dma_semaphore, #tpu.memory_space<semaphore_mem>>, %arg14: memref<!tpu.dma_semaphore, #tpu.memory_space<semaphore_mem>>) attributes {dimension_semantics = [#tpu.dimension_semantics<core_parallel>, #tpu.dimension_semantics<subcore_parallel>], iteration_bounds = array<i64: 2, 16>, scalar_prefetch = 0 : i64, scratch_operands = 10 : i64, tpu.core_type = #tpu.core_type<sc_vector_subcore>, window_params = [{transform_indices = #map}, {transform_indices = #map}, {transform_indices = #map}]} {
    %mul3A = arith.constant 2 : i32
    %mul3A_0 = arith.muli %arg1, %mul3A : i32
    %add3A = arith.addi %mul3A_0, %arg0 : i32
    %mul3A_1 = arith.constant 128 : i32
    %mul3A_2 = arith.muli %add3A, %mul3A_1 : i32
    %min3A = arith.constant 0 : i32
    %min3A_3 = arith.constant 31 : i32
    %min3A_4 = arith.minsi %min3A, %min3A_3 : i32
    %mul3A_5 = arith.constant 4 : i32
    %mul3A_6 = arith.muli %min3A_4, %mul3A_5 : i32
    %add3A_7 = arith.addi %mul3A_2, %mul3A_6 : i32
    %dma_start3A = arith.constant 0 : i32
    %dma_start3A_8 = tpu.memref_slice %arg2[%add3A_7, %dma_start3A] : memref<4096x4096xf32, #tpu.memory_space<hbm>> -> memref<4x4096xf32, #tpu.memory_space<hbm>>
    %dma_start3A_9 = arith.constant 0 : i32
    %dma_start3A_10 = tpu.memref_slice %arg2[%add3A_7, %dma_start3A_9] : memref<4096x4096xf32, #tpu.memory_space<hbm>> -> memref<4x4096xf32, #tpu.memory_space<hbm>>
    tpu.enqueue_dma source(%dma_start3A_10 : memref<4x4096xf32, #tpu.memory_space<hbm>>) target(%arg5 : memref<4x4096xf32, #tpu.memory_space<vmem>>) target_semaphore(%arg11 : memref<!tpu.dma_semaphore, #tpu.memory_space<semaphore_mem>>)
    %dma_start3A_11 = arith.constant 0 : i32
    %dma_start3A_12 = tpu.memref_slice %arg3[%add3A_7, %dma_start3A_11] : memref<4096x4096xf32, #tpu.memory_space<hbm>> -> memref<4x4096xf32, #tpu.memory_space<hbm>>
    %dma_start3A_13 = arith.constant 0 : i32
    %dma_start3A_14 = tpu.memref_slice %arg3[%add3A_7, %dma_start3A_13] : memref<4096x4096xf32, #tpu.memory_space<hbm>> -> memref<4x4096xf32, #tpu.memory_space<hbm>>
    tpu.enqueue_dma source(%dma_start3A_14 : memref<4x4096xf32, #tpu.memory_space<hbm>>) target(%arg7 : memref<4x4096xf32, #tpu.memory_space<vmem>>) target_semaphore(%arg11 : memref<!tpu.dma_semaphore, #tpu.memory_space<semaphore_mem>>)
    %min3A_15 = arith.constant 1 : i32
    %min3A_16 = arith.constant 31 : i32
    %min3A_17 = arith.minsi %min3A_15, %min3A_16 : i32
    %mul3A_18 = arith.constant 4 : i32
    %mul3A_19 = arith.muli %min3A_17, %mul3A_18 : i32
    %add3A_20 = arith.addi %mul3A_2, %mul3A_19 : i32
    %dma_start3A_21 = arith.constant 0 : i32
    %dma_start3A_22 = tpu.memref_slice %arg2[%add3A_20, %dma_start3A_21] : memref<4096x4096xf32, #tpu.memory_space<hbm>> -> memref<4x4096xf32, #tpu.memory_space<hbm>>
    %dma_start3A_23 = arith.constant 0 : i32
    %dma_start3A_24 = tpu.memref_slice %arg2[%add3A_20, %dma_start3A_23] : memref<4096x4096xf32, #tpu.memory_space<hbm>> -> memref<4x4096xf32, #tpu.memory_space<hbm>>
    tpu.enqueue_dma source(%dma_start3A_24 : memref<4x4096xf32, #tpu.memory_space<hbm>>) target(%arg6 : memref<4x4096xf32, #tpu.memory_space<vmem>>) target_semaphore(%arg12 : memref<!tpu.dma_semaphore, #tpu.memory_space<semaphore_mem>>)
    %dma_start3A_25 = arith.constant 0 : i32
    %dma_start3A_26 = tpu.memref_slice %arg3[%add3A_20, %dma_start3A_25] : memref<4096x4096xf32, #tpu.memory_space<hbm>> -> memref<4x4096xf32, #tpu.memory_space<hbm>>
    %dma_start3A_27 = arith.constant 0 : i32
    %dma_start3A_28 = tpu.memref_slice %arg3[%add3A_20, %dma_start3A_27] : memref<4096x4096xf32, #tpu.memory_space<hbm>> -> memref<4x4096xf32, #tpu.memory_space<hbm>>
    tpu.enqueue_dma source(%dma_start3A_28 : memref<4x4096xf32, #tpu.memory_space<hbm>>) target(%arg8 : memref<4x4096xf32, #tpu.memory_space<vmem>>) target_semaphore(%arg12 : memref<!tpu.dma_semaphore, #tpu.memory_space<semaphore_mem>>)
    %scan3A = arith.constant 0 : i32
    %scan3A_29 = arith.constant 0 : i32
    %scan3A_30 = arith.constant 16 : i32
    %scan3A_31 = arith.addi %scan3A_29, %scan3A_30 : i32
    %scan3A_32 = arith.constant 1 : i32
    scf.for %scan3A_57 = %scan3A_29 to %scan3A_31 step %scan3A_32  : i32 {
      %mul3A_58 = arith.constant 2 : i32
      %mul3A_59 = arith.muli %mul3A_58, %scan3A_57 : i32
      %mul3A_60 = arith.constant 2 : i32
      %mul3A_61 = arith.muli %mul3A_60, %scan3A_57 : i32
      %add3A_62 = arith.constant 1 : i32
      %add3A_63 = arith.addi %mul3A_61, %add3A_62 : i32
      %dma_wait3A_64 = arith.constant 0 : i32
      %dma_wait3A_65 = tpu.memref_slice %arg2[%mul3A_2, %dma_wait3A_64] : memref<4096x4096xf32, #tpu.memory_space<hbm>> -> memref<4x4096xf32, #tpu.memory_space<hbm>>
      %dma_wait3A_66 = arith.constant 0 : i32
      %dma_wait3A_67 = tpu.memref_slice %arg2[%mul3A_2, %dma_wait3A_66] : memref<4096x4096xf32, #tpu.memory_space<hbm>> -> memref<4x4096xf32, #tpu.memory_space<hbm>>
      tpu.wait_dma2 semaphore(%arg11 : memref<!tpu.dma_semaphore, #tpu.memory_space<semaphore_mem>>) src(%dma_wait3A_67 : memref<4x4096xf32, #tpu.memory_space<hbm>>) dst(%arg5 : memref<4x4096xf32, #tpu.memory_space<vmem>>)
      %dma_wait3A_68 = arith.constant 0 : i32
      %dma_wait3A_69 = tpu.memref_slice %arg3[%mul3A_2, %dma_wait3A_68] : memref<4096x4096xf32, #tpu.memory_space<hbm>> -> memref<4x4096xf32, #tpu.memory_space<hbm>>
      %dma_wait3A_70 = arith.constant 0 : i32
      %dma_wait3A_71 = tpu.memref_slice %arg3[%mul3A_2, %dma_wait3A_70] : memref<4096x4096xf32, #tpu.memory_space<hbm>> -> memref<4x4096xf32, #tpu.memory_space<hbm>>
      tpu.wait_dma2 semaphore(%arg11 : memref<!tpu.dma_semaphore, #tpu.memory_space<semaphore_mem>>) src(%dma_wait3A_71 : memref<4x4096xf32, #tpu.memory_space<hbm>>) dst(%arg7 : memref<4x4096xf32, #tpu.memory_space<vmem>>)
      %gt3A = arith.constant 0 : i32
      %gt3A_72 = arith.cmpi sgt, %scan3A_57, %gt3A : i32
      %convert_element_type3A = arith.extui %gt3A_72 : i1 to i32
      %cond3A = arith.constant 0 : i32
      %cond3A_73 = arith.cmpi ne, %convert_element_type3A, %cond3A : i32
      scf.if %cond3A_73 {
        %dma_wait3A_155 = arith.constant 0 : i32
        %dma_wait3A_156 = tpu.memref_slice %arg4[%mul3A_2, %dma_wait3A_155] : memref<4096x4096xf32, #tpu.memory_space<hbm>> -> memref<4x4096xf32, #tpu.memory_space<hbm>>
        %dma_wait3A_157 = arith.constant 0 : i32
        %dma_wait3A_158 = tpu.memref_slice %arg4[%mul3A_2, %dma_wait3A_157] : memref<4096x4096xf32, #tpu.memory_space<hbm>> -> memref<4x4096xf32, #tpu.memory_space<hbm>>
        tpu.wait_dma2 semaphore(%arg13 : memref<!tpu.dma_semaphore, #tpu.memory_space<semaphore_mem>>) src(%arg9 : memref<4x4096xf32, #tpu.memory_space<vmem>>) dst(%dma_wait3A_158 : memref<4x4096xf32, #tpu.memory_space<hbm>>)
      } else {
      }
      %scan3A_74 = arith.constant 0.000000e+00 : f32
      %scan3A_75 = arith.constant 0.000000e+00 : f32
      %scan3A_76 = arith.constant 0.000000e+00 : f32
      %scan3A_77 = arith.constant 0.000000e+00 : f32
      %scan3A_78 = arith.constant 0 : i32
      %scan3A_79 = arith.constant 256 : i32
      %scan3A_80 = arith.addi %scan3A_78, %scan3A_79 : i32
      %scan3A_81 = arith.constant 1 : i32
      %scan3A_82:4 = scf.for %scan3A_155 = %scan3A_78 to %scan3A_80 step %scan3A_81 iter_args(%scan3A_156 = %scan3A_74, %scan3A_157 = %scan3A_75, %scan3A_158 = %scan3A_76, %scan3A_159 = %scan3A_77) -> (f32, f32, f32, f32)  : i32 {
        %mul3A_160 = arith.constant 16 : i32
        %mul3A_161 = arith.muli %scan3A_155, %mul3A_160 : i32
        %get3A = arith.constant 0 : i32
        %get3A_162 = arith.index_cast %get3A : i32 to index
        %get3A_163 = arith.index_cast %mul3A_161 : i32 to index
        %get3A_164 = tpu.vector_load %arg5[%get3A_162, %get3A_163] {strides = array<i32>} : memref<4x4096xf32, #tpu.memory_space<vmem>>, vector<16xf32>,
        %get3A_165 = arith.constant 0 : i32
        %get3A_166 = arith.index_cast %get3A_165 : i32 to index
        %get3A_167 = arith.index_cast %mul3A_161 : i32 to index
        %get3A_168 = tpu.vector_load %arg7[%get3A_166, %get3A_167] {strides = array<i32>} : memref<4x4096xf32, #tpu.memory_space<vmem>>, vector<16xf32>,
        %mul3A_169 = arith.mulf %get3A_164, %get3A_168 : vector<16xf32>
        %cumsum3A = arith.constant true
        %cumsum3A_170 = vector.broadcast %cumsum3A : i1 to vector<16xi1>
        %cumsum3A_171 = tpu.scan <sum>, %mul3A_169 masked %cumsum3A_170 : vector<16xf32>, vector<16xi1> -> vector<16xf32>
        %add3A_172 = vector.broadcast %scan3A_156 : f32 to vector<16xf32>
        %add3A_173 = arith.addf %cumsum3A_171, %add3A_172 : vector<16xf32>
        %swap3A = arith.constant 0 : i32
        %swap3A_174 = arith.index_cast %swap3A : i32 to index
        %swap3A_175 = arith.index_cast %mul3A_161 : i32 to index
        %swap3A_176 = tpu.vector_load %arg9[%swap3A_174, %swap3A_175] {strides = array<i32>} : memref<4x4096xf32, #tpu.memory_space<vmem>>, vector<16xf32>,
        tpu.vector_store %arg9[%swap3A_174, %swap3A_175], %add3A_173 {strides = array<i32>} : memref<4x4096xf32, #tpu.memory_space<vmem>>, vector<16xf32>,
        %slice3A = vector.extract_strided_slice %cumsum3A_171 {offsets = [15], sizes = [1], strides = [1]} : vector<16xf32> to vector<1xf32>
        %squeeze3A = vector.extract %slice3A[0] : f32 from vector<1xf32>
        %add3A_177 = arith.addf %squeeze3A, %scan3A_156 : f32
        %get3A_178 = arith.constant 1 : i32
        %get3A_179 = arith.index_cast %get3A_178 : i32 to index
        %get3A_180 = arith.index_cast %mul3A_161 : i32 to index
        %get3A_181 = tpu.vector_load %arg5[%get3A_179, %get3A_180] {strides = array<i32>} : memref<4x4096xf32, #tpu.memory_space<vmem>>, vector<16xf32>,
        %get3A_182 = arith.constant 1 : i32
        %get3A_183 = arith.index_cast %get3A_182 : i32 to index
        %get3A_184 = arith.index_cast %mul3A_161 : i32 to index
        %get3A_185 = tpu.vector_load %arg7[%get3A_183, %get3A_184] {strides = array<i32>} : memref<4x4096xf32, #tpu.memory_space<vmem>>, vector<16xf32>,
        %mul3A_186 = arith.mulf %get3A_181, %get3A_185 : vector<16xf32>
        %cumsum3A_187 = arith.constant true
        %cumsum3A_188 = vector.broadcast %cumsum3A_187 : i1 to vector<16xi1>
        %cumsum3A_189 = tpu.scan <sum>, %mul3A_186 masked %cumsum3A_188 : vector<16xf32>, vector<16xi1> -> vector<16xf32>
        %add3A_190 = vector.broadcast %scan3A_157 : f32 to vector<16xf32>
        %add3A_191 = arith.addf %cumsum3A_189, %add3A_190 : vector<16xf32>
        %swap3A_192 = arith.constant 1 : i32
        %swap3A_193 = arith.index_cast %swap3A_192 : i32 to index
        %swap3A_194 = arith.index_cast %mul3A_161 : i32 to index
        %swap3A_195 = tpu.vector_load %arg9[%swap3A_193, %swap3A_194] {strides = array<i32>} : memref<4x4096xf32, #tpu.memory_space<vmem>>, vector<16xf32>,
        tpu.vector_store %arg9[%swap3A_193, %swap3A_194], %add3A_191 {strides = array<i32>} : memref<4x4096xf32, #tpu.memory_space<vmem>>, vector<16xf32>,
        %slice3A_196 = vector.extract_strided_slice %cumsum3A_189 {offsets = [15], sizes = [1], strides = [1]} : vector<16xf32> to vector<1xf32>
        %squeeze3A_197 = vector.extract %slice3A_196[0] : f32 from vector<1xf32>
        %add3A_198 = arith.addf %squeeze3A_197, %scan3A_157 : f32
        %get3A_199 = arith.constant 2 : i32
        %get3A_200 = arith.index_cast %get3A_199 : i32 to index
        %get3A_201 = arith.index_cast %mul3A_161 : i32 to index
        %get3A_202 = tpu.vector_load %arg5[%get3A_200, %get3A_201] {strides = array<i32>} : memref<4x4096xf32, #tpu.memory_space<vmem>>, vector<16xf32>,
        %get3A_203 = arith.constant 2 : i32
        %get3A_204 = arith.index_cast %get3A_203 : i32 to index
        %get3A_205 = arith.index_cast %mul3A_161 : i32 to index
        %get3A_206 = tpu.vector_load %arg7[%get3A_204, %get3A_205] {strides = array<i32>} : memref<4x4096xf32, #tpu.memory_space<vmem>>, vector<16xf32>,
        %mul3A_207 = arith.mulf %get3A_202, %get3A_206 : vector<16xf32>
        %cumsum3A_208 = arith.constant true
        %cumsum3A_209 = vector.broadcast %cumsum3A_208 : i1 to vector<16xi1>
        %cumsum3A_210 = tpu.scan <sum>, %mul3A_207 masked %cumsum3A_209 : vector<16xf32>, vector<16xi1> -> vector<16xf32>
        %add3A_211 = vector.broadcast %scan3A_158 : f32 to vector<16xf32>
        %add3A_212 = arith.addf %cumsum3A_210, %add3A_211 : vector<16xf32>
        %swap3A_213 = arith.constant 2 : i32
        %swap3A_214 = arith.index_cast %swap3A_213 : i32 to index
        %swap3A_215 = arith.index_cast %mul3A_161 : i32 to index
        %swap3A_216 = tpu.vector_load %arg9[%swap3A_214, %swap3A_215] {strides = array<i32>} : memref<4x4096xf32, #tpu.memory_space<vmem>>, vector<16xf32>,
        tpu.vector_store %arg9[%swap3A_214, %swap3A_215], %add3A_212 {strides = array<i32>} : memref<4x4096xf32, #tpu.memory_space<vmem>>, vector<16xf32>,
        %slice3A_217 = vector.extract_strided_slice %cumsum3A_210 {offsets = [15], sizes = [1], strides = [1]} : vector<16xf32> to vector<1xf32>
        %squeeze3A_218 = vector.extract %slice3A_217[0] : f32 from vector<1xf32>
        %add3A_219 = arith.addf %squeeze3A_218, %scan3A_158 : f32
        %get3A_220 = arith.constant 3 : i32
        %get3A_221 = arith.index_cast %get3A_220 : i32 to index
        %get3A_222 = arith.index_cast %mul3A_161 : i32 to index
        %get3A_223 = tpu.vector_load %arg5[%get3A_221, %get3A_222] {strides = array<i32>} : memref<4x4096xf32, #tpu.memory_space<vmem>>, vector<16xf32>,
        %get3A_224 = arith.constant 3 : i32
        %get3A_225 = arith.index_cast %get3A_224 : i32 to index
        %get3A_226 = arith.index_cast %mul3A_161 : i32 to index
        %get3A_227 = tpu.vector_load %arg7[%get3A_225, %get3A_226] {strides = array<i32>} : memref<4x4096xf32, #tpu.memory_space<vmem>>, vector<16xf32>,
        %mul3A_228 = arith.mulf %get3A_223, %get3A_227 : vector<16xf32>
        %cumsum3A_229 = arith.constant true
        %cumsum3A_230 = vector.broadcast %cumsum3A_229 : i1 to vector<16xi1>
        %cumsum3A_231 = tpu.scan <sum>, %mul3A_228 masked %cumsum3A_230 : vector<16xf32>, vector<16xi1> -> vector<16xf32>
        %add3A_232 = vector.broadcast %scan3A_159 : f32 to vector<16xf32>
        %add3A_233 = arith.addf %cumsum3A_231, %add3A_232 : vector<16xf32>
        %swap3A_234 = arith.constant 3 : i32
        %swap3A_235 = arith.index_cast %swap3A_234 : i32 to index
        %swap3A_236 = arith.index_cast %mul3A_161 : i32 to index
        %swap3A_237 = tpu.vector_load %arg9[%swap3A_235, %swap3A_236] {strides = array<i32>} : memref<4x4096xf32, #tpu.memory_space<vmem>>, vector<16xf32>,
        tpu.vector_store %arg9[%swap3A_235, %swap3A_236], %add3A_233 {strides = array<i32>} : memref<4x4096xf32, #tpu.memory_space<vmem>>, vector<16xf32>,
        %slice3A_238 = vector.extract_strided_slice %cumsum3A_231 {offsets = [15], sizes = [1], strides = [1]} : vector<16xf32> to vector<1xf32>
        %squeeze3A_239 = vector.extract %slice3A_238[0] : f32 from vector<1xf32>
        %add3A_240 = arith.addf %squeeze3A_239, %scan3A_159 : f32
        scf.yield %add3A_177, %add3A_198, %add3A_219, %add3A_240 : f32, f32, f32, f32
      }
      %scan3A_83 = arith.constant 256 : i32
      %min3A_84 = arith.constant 31 : i32
      %min3A_85 = arith.minsi %mul3A_59, %min3A_84 : i32
      %mul3A_86 = arith.constant 4 : i32
      %mul3A_87 = arith.muli %min3A_85, %mul3A_86 : i32
      %add3A_88 = arith.addi %mul3A_2, %mul3A_87 : i32
      %dma_start3A_89 = arith.constant 0 : i32
      %dma_start3A_90 = tpu.memref_slice %arg4[%add3A_88, %dma_start3A_89] : memref<4096x4096xf32, #tpu.memory_space<hbm>> -> memref<4x4096xf32, #tpu.memory_space<hbm>>
      %dma_start3A_91 = arith.constant 0 : i32
      %dma_start3A_92 = tpu.memref_slice %arg4[%add3A_88, %dma_start3A_91] : memref<4096x4096xf32, #tpu.memory_space<hbm>> -> memref<4x4096xf32, #tpu.memory_space<hbm>>
      tpu.enqueue_dma source(%arg9 : memref<4x4096xf32, #tpu.memory_space<vmem>>) target(%dma_start3A_92 : memref<4x4096xf32, #tpu.memory_space<hbm>>) target_semaphore(%arg13 : memref<!tpu.dma_semaphore, #tpu.memory_space<semaphore_mem>>)
      %add3A_93 = arith.constant 2 : i32
      %add3A_94 = arith.addi %mul3A_59, %add3A_93 : i32
      %min3A_95 = arith.constant 31 : i32
      %min3A_96 = arith.minsi %add3A_94, %min3A_95 : i32
      %mul3A_97 = arith.constant 4 : i32
      %mul3A_98 = arith.muli %min3A_96, %mul3A_97 : i32
      %add3A_99 = arith.addi %mul3A_2, %mul3A_98 : i32
      %dma_start3A_100 = arith.constant 0 : i32
      %dma_start3A_101 = tpu.memref_slice %arg2[%add3A_99, %dma_start3A_100] : memref<4096x4096xf32, #tpu.memory_space<hbm>> -> memref<4x4096xf32, #tpu.memory_space<hbm>>
      %dma_start3A_102 = arith.constant 0 : i32
      %dma_start3A_103 = tpu.memref_slice %arg2[%add3A_99, %dma_start3A_102] : memref<4096x4096xf32, #tpu.memory_space<hbm>> -> memref<4x4096xf32, #tpu.memory_space<hbm>>
      tpu.enqueue_dma source(%dma_start3A_103 : memref<4x4096xf32, #tpu.memory_space<hbm>>) target(%arg5 : memref<4x4096xf32, #tpu.memory_space<vmem>>) target_semaphore(%arg11 : memref<!tpu.dma_semaphore, #tpu.memory_space<semaphore_mem>>)
      %dma_start3A_104 = arith.constant 0 : i32
      %dma_start3A_105 = tpu.memref_slice %arg3[%add3A_99, %dma_start3A_104] : memref<4096x4096xf32, #tpu.memory_space<hbm>> -> memref<4x4096xf32, #tpu.memory_space<hbm>>
      %dma_start3A_106 = arith.constant 0 : i32
      %dma_start3A_107 = tpu.memref_slice %arg3[%add3A_99, %dma_start3A_106] : memref<4096x4096xf32, #tpu.memory_space<hbm>> -> memref<4x4096xf32, #tpu.memory_space<hbm>>
      tpu.enqueue_dma source(%dma_start3A_107 : memref<4x4096xf32, #tpu.memory_space<hbm>>) target(%arg7 : memref<4x4096xf32, #tpu.memory_space<vmem>>) target_semaphore(%arg11 : memref<!tpu.dma_semaphore, #tpu.memory_space<semaphore_mem>>)
      %dma_wait3A_108 = arith.constant 0 : i32
      %dma_wait3A_109 = tpu.memref_slice %arg2[%mul3A_2, %dma_wait3A_108] : memref<4096x4096xf32, #tpu.memory_space<hbm>> -> memref<4x4096xf32, #tpu.memory_space<hbm>>
      %dma_wait3A_110 = arith.constant 0 : i32
      %dma_wait3A_111 = tpu.memref_slice %arg2[%mul3A_2, %dma_wait3A_110] : memref<4096x4096xf32, #tpu.memory_space<hbm>> -> memref<4x4096xf32, #tpu.memory_space<hbm>>
      tpu.wait_dma2 semaphore(%arg12 : memref<!tpu.dma_semaphore, #tpu.memory_space<semaphore_mem>>) src(%dma_wait3A_111 : memref<4x4096xf32, #tpu.memory_space<hbm>>) dst(%arg6 : memref<4x4096xf32, #tpu.memory_space<vmem>>)
      %dma_wait3A_112 = arith.constant 0 : i32
      %dma_wait3A_113 = tpu.memref_slice %arg3[%mul3A_2, %dma_wait3A_112] : memref<4096x4096xf32, #tpu.memory_space<hbm>> -> memref<4x4096xf32, #tpu.memory_space<hbm>>
      %dma_wait3A_114 = arith.constant 0 : i32
      %dma_wait3A_115 = tpu.memref_slice %arg3[%mul3A_2, %dma_wait3A_114] : memref<4096x4096xf32, #tpu.memory_space<hbm>> -> memref<4x4096xf32, #tpu.memory_space<hbm>>
      tpu.wait_dma2 semaphore(%arg12 : memref<!tpu.dma_semaphore, #tpu.memory_space<semaphore_mem>>) src(%dma_wait3A_115 : memref<4x4096xf32, #tpu.memory_space<hbm>>) dst(%arg8 : memref<4x4096xf32, #tpu.memory_space<vmem>>)
      %gt3A_116 = arith.constant 0 : i32
      %gt3A_117 = arith.cmpi sgt, %scan3A_57, %gt3A_116 : i32
      %convert_element_type3A_118 = arith.extui %gt3A_117 : i1 to i32
      %cond3A_119 = arith.constant 0 : i32
      %cond3A_120 = arith.cmpi ne, %convert_element_type3A_118, %cond3A_119 : i32
      scf.if %cond3A_120 {
        %dma_wait3A_155 = arith.constant 0 : i32
        %dma_wait3A_156 = tpu.memref_slice %arg4[%mul3A_2, %dma_wait3A_155] : memref<4096x4096xf32, #tpu.memory_space<hbm>> -> memref<4x4096xf32, #tpu.memory_space<hbm>>
        %dma_wait3A_157 = arith.constant 0 : i32
        %dma_wait3A_158 = tpu.memref_slice %arg4[%mul3A_2, %dma_wait3A_157] : memref<4096x4096xf32, #tpu.memory_space<hbm>> -> memref<4x4096xf32, #tpu.memory_space<hbm>>
        tpu.wait_dma2 semaphore(%arg14 : memref<!tpu.dma_semaphore, #tpu.memory_space<semaphore_mem>>) src(%arg10 : memref<4x4096xf32, #tpu.memory_space<vmem>>) dst(%dma_wait3A_158 : memref<4x4096xf32, #tpu.memory_space<hbm>>)
      } else {
      }
      %scan3A_121 = arith.constant 0.000000e+00 : f32
      %scan3A_122 = arith.constant 0.000000e+00 : f32
      %scan3A_123 = arith.constant 0.000000e+00 : f32
      %scan3A_124 = arith.constant 0.000000e+00 : f32
      %scan3A_125 = arith.constant 0 : i32
      %scan3A_126 = arith.constant 256 : i32
      %scan3A_127 = arith.addi %scan3A_125, %scan3A_126 : i32
      %scan3A_128 = arith.constant 1 : i32
      %scan3A_129:4 = scf.for %scan3A_155 = %scan3A_125 to %scan3A_127 step %scan3A_128 iter_args(%scan3A_156 = %scan3A_121, %scan3A_157 = %scan3A_122, %scan3A_158 = %scan3A_123, %scan3A_159 = %scan3A_124) -> (f32, f32, f32, f32)  : i32 {
        %mul3A_160 = arith.constant 16 : i32
        %mul3A_161 = arith.muli %scan3A_155, %mul3A_160 : i32
        %get3A = arith.constant 0 : i32
        %get3A_162 = arith.index_cast %get3A : i32 to index
        %get3A_163 = arith.index_cast %mul3A_161 : i32 to index
        %get3A_164 = tpu.vector_load %arg6[%get3A_162, %get3A_163] {strides = array<i32>} : memref<4x4096xf32, #tpu.memory_space<vmem>>, vector<16xf32>,
        %get3A_165 = arith.constant 0 : i32
        %get3A_166 = arith.index_cast %get3A_165 : i32 to index
        %get3A_167 = arith.index_cast %mul3A_161 : i32 to index
        %get3A_168 = tpu.vector_load %arg8[%get3A_166, %get3A_167] {strides = array<i32>} : memref<4x4096xf32, #tpu.memory_space<vmem>>, vector<16xf32>,
        %mul3A_169 = arith.mulf %get3A_164, %get3A_168 : vector<16xf32>
        %cumsum3A = arith.constant true
        %cumsum3A_170 = vector.broadcast %cumsum3A : i1 to vector<16xi1>
        %cumsum3A_171 = tpu.scan <sum>, %mul3A_169 masked %cumsum3A_170 : vector<16xf32>, vector<16xi1> -> vector<16xf32>
        %add3A_172 = vector.broadcast %scan3A_156 : f32 to vector<16xf32>
        %add3A_173 = arith.addf %cumsum3A_171, %add3A_172 : vector<16xf32>
        %swap3A = arith.constant 0 : i32
        %swap3A_174 = arith.index_cast %swap3A : i32 to index
        %swap3A_175 = arith.index_cast %mul3A_161 : i32 to index
        %swap3A_176 = tpu.vector_load %arg10[%swap3A_174, %swap3A_175] {strides = array<i32>} : memref<4x4096xf32, #tpu.memory_space<vmem>>, vector<16xf32>,
        tpu.vector_store %arg10[%swap3A_174, %swap3A_175], %add3A_173 {strides = array<i32>} : memref<4x4096xf32, #tpu.memory_space<vmem>>, vector<16xf32>,
        %slice3A = vector.extract_strided_slice %cumsum3A_171 {offsets = [15], sizes = [1], strides = [1]} : vector<16xf32> to vector<1xf32>
        %squeeze3A = vector.extract %slice3A[0] : f32 from vector<1xf32>
        %add3A_177 = arith.addf %squeeze3A, %scan3A_156 : f32
        %get3A_178 = arith.constant 1 : i32
        %get3A_179 = arith.index_cast %get3A_178 : i32 to index
        %get3A_180 = arith.index_cast %mul3A_161 : i32 to index
        %get3A_181 = tpu.vector_load %arg6[%get3A_179, %get3A_180] {strides = array<i32>} : memref<4x4096xf32, #tpu.memory_space<vmem>>, vector<16xf32>,
        %get3A_182 = arith.constant 1 : i32
        %get3A_183 = arith.index_cast %get3A_182 : i32 to index
        %get3A_184 = arith.index_cast %mul3A_161 : i32 to index
        %get3A_185 = tpu.vector_load %arg8[%get3A_183, %get3A_184] {strides = array<i32>} : memref<4x4096xf32, #tpu.memory_space<vmem>>, vector<16xf32>,
        %mul3A_186 = arith.mulf %get3A_181, %get3A_185 : vector<16xf32>
        %cumsum3A_187 = arith.constant true
        %cumsum3A_188 = vector.broadcast %cumsum3A_187 : i1 to vector<16xi1>
        %cumsum3A_189 = tpu.scan <sum>, %mul3A_186 masked %cumsum3A_188 : vector<16xf32>, vector<16xi1> -> vector<16xf32>
        %add3A_190 = vector.broadcast %scan3A_157 : f32 to vector<16xf32>
        %add3A_191 = arith.addf %cumsum3A_189, %add3A_190 : vector<16xf32>
        %swap3A_192 = arith.constant 1 : i32
        %swap3A_193 = arith.index_cast %swap3A_192 : i32 to index
        %swap3A_194 = arith.index_cast %mul3A_161 : i32 to index
        %swap3A_195 = tpu.vector_load %arg10[%swap3A_193, %swap3A_194] {strides = array<i32>} : memref<4x4096xf32, #tpu.memory_space<vmem>>, vector<16xf32>,
        tpu.vector_store %arg10[%swap3A_193, %swap3A_194], %add3A_191 {strides = array<i32>} : memref<4x4096xf32, #tpu.memory_space<vmem>>, vector<16xf32>,
        %slice3A_196 = vector.extract_strided_slice %cumsum3A_189 {offsets = [15], sizes = [1], strides = [1]} : vector<16xf32> to vector<1xf32>
        %squeeze3A_197 = vector.extract %slice3A_196[0] : f32 from vector<1xf32>
        %add3A_198 = arith.addf %squeeze3A_197, %scan3A_157 : f32
        %get3A_199 = arith.constant 2 : i32
        %get3A_200 = arith.index_cast %get3A_199 : i32 to index
        %get3A_201 = arith.index_cast %mul3A_161 : i32 to index
        %get3A_202 = tpu.vector_load %arg6[%get3A_200, %get3A_201] {strides = array<i32>} : memref<4x4096xf32, #tpu.memory_space<vmem>>, vector<16xf32>,
        %get3A_203 = arith.constant 2 : i32
        %get3A_204 = arith.index_cast %get3A_203 : i32 to index
        %get3A_205 = arith.index_cast %mul3A_161 : i32 to index
        %get3A_206 = tpu.vector_load %arg8[%get3A_204, %get3A_205] {strides = array<i32>} : memref<4x4096xf32, #tpu.memory_space<vmem>>, vector<16xf32>,
        %mul3A_207 = arith.mulf %get3A_202, %get3A_206 : vector<16xf32>
        %cumsum3A_208 = arith.constant true
        %cumsum3A_209 = vector.broadcast %cumsum3A_208 : i1 to vector<16xi1>
        %cumsum3A_210 = tpu.scan <sum>, %mul3A_207 masked %cumsum3A_209 : vector<16xf32>, vector<16xi1> -> vector<16xf32>
        %add3A_211 = vector.broadcast %scan3A_158 : f32 to vector<16xf32>
        %add3A_212 = arith.addf %cumsum3A_210, %add3A_211 : vector<16xf32>
        %swap3A_213 = arith.constant 2 : i32
        %swap3A_214 = arith.index_cast %swap3A_213 : i32 to index
        %swap3A_215 = arith.index_cast %mul3A_161 : i32 to index
        %swap3A_216 = tpu.vector_load %arg10[%swap3A_214, %swap3A_215] {strides = array<i32>} : memref<4x4096xf32, #tpu.memory_space<vmem>>, vector<16xf32>,
        tpu.vector_store %arg10[%swap3A_214, %swap3A_215], %add3A_212 {strides = array<i32>} : memref<4x4096xf32, #tpu.memory_space<vmem>>, vector<16xf32>,
        %slice3A_217 = vector.extract_strided_slice %cumsum3A_210 {offsets = [15], sizes = [1], strides = [1]} : vector<16xf32> to vector<1xf32>
        %squeeze3A_218 = vector.extract %slice3A_217[0] : f32 from vector<1xf32>
        %add3A_219 = arith.addf %squeeze3A_218, %scan3A_158 : f32
        %get3A_220 = arith.constant 3 : i32
        %get3A_221 = arith.index_cast %get3A_220 : i32 to index
        %get3A_222 = arith.index_cast %mul3A_161 : i32 to index
        %get3A_223 = tpu.vector_load %arg6[%get3A_221, %get3A_222] {strides = array<i32>} : memref<4x4096xf32, #tpu.memory_space<vmem>>, vector<16xf32>,
        %get3A_224 = arith.constant 3 : i32
        %get3A_225 = arith.index_cast %get3A_224 : i32 to index
        %get3A_226 = arith.index_cast %mul3A_161 : i32 to index
        %get3A_227 = tpu.vector_load %arg8[%get3A_225, %get3A_226] {strides = array<i32>} : memref<4x4096xf32, #tpu.memory_space<vmem>>, vector<16xf32>,
        %mul3A_228 = arith.mulf %get3A_223, %get3A_227 : vector<16xf32>
        %cumsum3A_229 = arith.constant true
        %cumsum3A_230 = vector.broadcast %cumsum3A_229 : i1 to vector<16xi1>
        %cumsum3A_231 = tpu.scan <sum>, %mul3A_228 masked %cumsum3A_230 : vector<16xf32>, vector<16xi1> -> vector<16xf32>
        %add3A_232 = vector.broadcast %scan3A_159 : f32 to vector<16xf32>
        %add3A_233 = arith.addf %cumsum3A_231, %add3A_232 : vector<16xf32>
        %swap3A_234 = arith.constant 3 : i32
        %swap3A_235 = arith.index_cast %swap3A_234 : i32 to index
        %swap3A_236 = arith.index_cast %mul3A_161 : i32 to index
        %swap3A_237 = tpu.vector_load %arg10[%swap3A_235, %swap3A_236] {strides = array<i32>} : memref<4x4096xf32, #tpu.memory_space<vmem>>, vector<16xf32>,
        tpu.vector_store %arg10[%swap3A_235, %swap3A_236], %add3A_233 {strides = array<i32>} : memref<4x4096xf32, #tpu.memory_space<vmem>>, vector<16xf32>,
        %slice3A_238 = vector.extract_strided_slice %cumsum3A_231 {offsets = [15], sizes = [1], strides = [1]} : vector<16xf32> to vector<1xf32>
        %squeeze3A_239 = vector.extract %slice3A_238[0] : f32 from vector<1xf32>
        %add3A_240 = arith.addf %squeeze3A_239, %scan3A_159 : f32
        scf.yield %add3A_177, %add3A_198, %add3A_219, %add3A_240 : f32, f32, f32, f32
      }
      %scan3A_130 = arith.constant 256 : i32
      %min3A_131 = arith.constant 31 : i32
      %min3A_132 = arith.minsi %add3A_63, %min3A_131 : i32
      %mul3A_133 = arith.constant 4 : i32
      %mul3A_134 = arith.muli %min3A_132, %mul3A_133 : i32
      %add3A_135 = arith.addi %mul3A_2, %mul3A_134 : i32
      %dma_start3A_136 = arith.constant 0 : i32
      %dma_start3A_137 = tpu.memref_slice %arg4[%add3A_135, %dma_start3A_136] : memref<4096x4096xf32, #tpu.memory_space<hbm>> -> memref<4x4096xf32, #tpu.memory_space<hbm>>
      %dma_start3A_138 = arith.constant 0 : i32
      %dma_start3A_139 = tpu.memref_slice %arg4[%add3A_135, %dma_start3A_138] : memref<4096x4096xf32, #tpu.memory_space<hbm>> -> memref<4x4096xf32, #tpu.memory_space<hbm>>
      tpu.enqueue_dma source(%arg10 : memref<4x4096xf32, #tpu.memory_space<vmem>>) target(%dma_start3A_139 : memref<4x4096xf32, #tpu.memory_space<hbm>>) target_semaphore(%arg14 : memref<!tpu.dma_semaphore, #tpu.memory_space<semaphore_mem>>)
      %add3A_140 = arith.constant 2 : i32
      %add3A_141 = arith.addi %add3A_63, %add3A_140 : i32
      %min3A_142 = arith.constant 31 : i32
      %min3A_143 = arith.minsi %add3A_141, %min3A_142 : i32
      %mul3A_144 = arith.constant 4 : i32
      %mul3A_145 = arith.muli %min3A_143, %mul3A_144 : i32
      %add3A_146 = arith.addi %mul3A_2, %mul3A_145 : i32
      %dma_start3A_147 = arith.constant 0 : i32
      %dma_start3A_148 = tpu.memref_slice %arg2[%add3A_146, %dma_start3A_147] : memref<4096x4096xf32, #tpu.memory_space<hbm>> -> memref<4x4096xf32, #tpu.memory_space<hbm>>
      %dma_start3A_149 = arith.constant 0 : i32
      %dma_start3A_150 = tpu.memref_slice %arg2[%add3A_146, %dma_start3A_149] : memref<4096x4096xf32, #tpu.memory_space<hbm>> -> memref<4x4096xf32, #tpu.memory_space<hbm>>
      tpu.enqueue_dma source(%dma_start3A_150 : memref<4x4096xf32, #tpu.memory_space<hbm>>) target(%arg6 : memref<4x4096xf32, #tpu.memory_space<vmem>>) target_semaphore(%arg12 : memref<!tpu.dma_semaphore, #tpu.memory_space<semaphore_mem>>)
      %dma_start3A_151 = arith.constant 0 : i32
      %dma_start3A_152 = tpu.memref_slice %arg3[%add3A_146, %dma_start3A_151] : memref<4096x4096xf32, #tpu.memory_space<hbm>> -> memref<4x4096xf32, #tpu.memory_space<hbm>>
      %dma_start3A_153 = arith.constant 0 : i32
      %dma_start3A_154 = tpu.memref_slice %arg3[%add3A_146, %dma_start3A_153] : memref<4096x4096xf32, #tpu.memory_space<hbm>> -> memref<4x4096xf32, #tpu.memory_space<hbm>>
      tpu.enqueue_dma source(%dma_start3A_154 : memref<4x4096xf32, #tpu.memory_space<hbm>>) target(%arg8 : memref<4x4096xf32, #tpu.memory_space<vmem>>) target_semaphore(%arg12 : memref<!tpu.dma_semaphore, #tpu.memory_space<semaphore_mem>>)
    }
    %scan3A_33 = arith.constant 16 : i32
    %dma_wait3A = arith.constant 0 : i32
    %dma_wait3A_34 = tpu.memref_slice %arg4[%mul3A_2, %dma_wait3A] : memref<4096x4096xf32, #tpu.memory_space<hbm>> -> memref<4x4096xf32, #tpu.memory_space<hbm>>
    %dma_wait3A_35 = arith.constant 0 : i32
    %dma_wait3A_36 = tpu.memref_slice %arg4[%mul3A_2, %dma_wait3A_35] : memref<4096x4096xf32, #tpu.memory_space<hbm>> -> memref<4x4096xf32, #tpu.memory_space<hbm>>
    tpu.wait_dma2 semaphore(%arg13 : memref<!tpu.dma_semaphore, #tpu.memory_space<semaphore_mem>>) src(%arg9 : memref<4x4096xf32, #tpu.memory_space<vmem>>) dst(%dma_wait3A_36 : memref<4x4096xf32, #tpu.memory_space<hbm>>)
    %dma_wait3A_37 = arith.constant 0 : i32
    %dma_wait3A_38 = tpu.memref_slice %arg4[%mul3A_2, %dma_wait3A_37] : memref<4096x4096xf32, #tpu.memory_space<hbm>> -> memref<4x4096xf32, #tpu.memory_space<hbm>>
    %dma_wait3A_39 = arith.constant 0 : i32
    %dma_wait3A_40 = tpu.memref_slice %arg4[%mul3A_2, %dma_wait3A_39] : memref<4096x4096xf32, #tpu.memory_space<hbm>> -> memref<4x4096xf32, #tpu.memory_space<hbm>>
    tpu.wait_dma2 semaphore(%arg14 : memref<!tpu.dma_semaphore, #tpu.memory_space<semaphore_mem>>) src(%arg10 : memref<4x4096xf32, #tpu.memory_space<vmem>>) dst(%dma_wait3A_40 : memref<4x4096xf32, #tpu.memory_space<hbm>>)
    %dma_wait3A_41 = arith.constant 0 : i32
    %dma_wait3A_42 = tpu.memref_slice %arg2[%mul3A_2, %dma_wait3A_41] : memref<4096x4096xf32, #tpu.memory_space<hbm>> -> memref<4x4096xf32, #tpu.memory_space<hbm>>
    %dma_wait3A_43 = arith.constant 0 : i32
    %dma_wait3A_44 = tpu.memref_slice %arg2[%mul3A_2, %dma_wait3A_43] : memref<4096x4096xf32, #tpu.memory_space<hbm>> -> memref<4x4096xf32, #tpu.memory_space<hbm>>
    tpu.wait_dma2 semaphore(%arg11 : memref<!tpu.dma_semaphore, #tpu.memory_space<semaphore_mem>>) src(%dma_wait3A_44 : memref<4x4096xf32, #tpu.memory_space<hbm>>) dst(%arg5 : memref<4x4096xf32, #tpu.memory_space<vmem>>)
    %dma_wait3A_45 = arith.constant 0 : i32
    %dma_wait3A_46 = tpu.memref_slice %arg3[%mul3A_2, %dma_wait3A_45] : memref<4096x4096xf32, #tpu.memory_space<hbm>> -> memref<4x4096xf32, #tpu.memory_space<hbm>>
    %dma_wait3A_47 = arith.constant 0 : i32
    %dma_wait3A_48 = tpu.memref_slice %arg3[%mul3A_2, %dma_wait3A_47] : memref<4096x4096xf32, #tpu.memory_space<hbm>> -> memref<4x4096xf32, #tpu.memory_space<hbm>>
    tpu.wait_dma2 semaphore(%arg11 : memref<!tpu.dma_semaphore, #tpu.memory_space<semaphore_mem>>) src(%dma_wait3A_48 : memref<4x4096xf32, #tpu.memory_space<hbm>>) dst(%arg7 : memref<4x4096xf32, #tpu.memory_space<vmem>>)
    %dma_wait3A_49 = arith.constant 0 : i32
    %dma_wait3A_50 = tpu.memref_slice %arg2[%mul3A_2, %dma_wait3A_49] : memref<4096x4096xf32, #tpu.memory_space<hbm>> -> memref<4x4096xf32, #tpu.memory_space<hbm>>
    %dma_wait3A_51 = arith.constant 0 : i32
    %dma_wait3A_52 = tpu.memref_slice %arg2[%mul3A_2, %dma_wait3A_51] : memref<4096x4096xf32, #tpu.memory_space<hbm>> -> memref<4x4096xf32, #tpu.memory_space<hbm>>
    tpu.wait_dma2 semaphore(%arg12 : memref<!tpu.dma_semaphore, #tpu.memory_space<semaphore_mem>>) src(%dma_wait3A_52 : memref<4x4096xf32, #tpu.memory_space<hbm>>) dst(%arg6 : memref<4x4096xf32, #tpu.memory_space<vmem>>)
    %dma_wait3A_53 = arith.constant 0 : i32
    %dma_wait3A_54 = tpu.memref_slice %arg3[%mul3A_2, %dma_wait3A_53] : memref<4096x4096xf32, #tpu.memory_space<hbm>> -> memref<4x4096xf32, #tpu.memory_space<hbm>>
    %dma_wait3A_55 = arith.constant 0 : i32
    %dma_wait3A_56 = tpu.memref_slice %arg3[%mul3A_2, %dma_wait3A_55] : memref<4096x4096xf32, #tpu.memory_space<hbm>> -> memref<4x4096xf32, #tpu.memory_space<hbm>>
    tpu.wait_dma2 semaphore(%arg12 : memref<!tpu.dma_semaphore, #tpu.memory_space<semaphore_mem>>) src(%dma_wait3A_56 : memref<4x4096xf32, #tpu.memory_space<hbm>>) dst(%arg8 : memref<4x4096xf32, #tpu.memory_space<vmem>>)
    return
  }
}

</mosaic_0001>

<sc_bundles>
// kernel: kernel.3.cloned.1.call-start
scs
__scs_entry_jumppad:
0x0: {  	(pc) =	sbr.rel $0x88, $3  }
0x1: {  	(tag) =	ssettag $0x0;
	lr =	simm.s32 $0x1  }
0x2: {  	[smem:$0x3F9F] =	sst lr;
	_ =	strace $0xD0000000  }
0x3: {  	_ = 	snop  }
0x4: {  	_ = 	snop  }
0x5: {  	_ = 	snop  }
0x6: {  	_ = 	snop  }
0x7: {  	_ = 	snop  }
__scs_overlays_trampoline_lowered:
0x8: {  	[smem:$0x3FAE] =	sst s0  }
0x9: {  	[smem:$0x3FAF] =	sst s1  }
0xa: {  	[smem:$0x3FB0] =	sst s2  }
0xb: {  	[smem:$0x3FB1] =	sst s3  }
0xc: {  	[smem:$0x3FB2] =	sst s4  }
0xd: {  	[smem:$0x3FB3] =	sst s5  }
0xe: {  	[smem:$0x3FB4] =	sst s6  }
0xf: {  	[smem:$0x3FB5] =	sst s7  }
0x10: {  	[smem:$0x3FB6] =	sst s8  }
0x11: {  	[smem:$0x3FB7] =	sst s9;
	s0 =	simm.s32 @!p0 $0x0  }
0x12: {  	s1 =	sld [smem:$0x3F9D];
	s0 =	simm.s32 @p0 $0x1  }
0x13: {  	[smem:$0x3FB8] =	sst s0;
	s0 =	simm.s32 @!p1 $0x0  }
0x14: {  	s2 =	sld [smem:$0x3F9C];
	s0 =	simm.s32 @p1 $0x1  }
0x15: {  	[smem:$0x3FB9] =	sst s0;
	s0 =	simm.s32 @!p2 $0x0  }
0x16: {  	s3 =	sld [smem:$0x3FDB];
	s0 =	simm.s32 @p2 $0x1  }
0x17: {  	s4 =	simm.s32 $0x1BF5;
	[smem:$0x3FBB] =	sst s0  }
0x18: {  	s0 =	sld [smem:$0x3F9E];
	_ =	swait.ge [sflag:s4], $0x0  }
0x19: {  	s7 =	sld [smem:$0x3F9F]  }
0x1a: {  	s8 =	sadd.s32 $0xFFFFE003, lr  }
0x1b: {  	s9 =	sadd.s32 $0xFFFFFEF7, lr;
	s5 =	simm.s32 $0xFFFFFFFF;
	p2 =	slt.u32 s8, $0xFFFFF086  }
0x1c: {  	p1 =	slt.u32 s9, $0xF7A;
	s5 =	simm.s32 @!p2 $0x0  }
0x1d: {  	s5 =	simm.s32 @p1 $0x1;
	p0 =	seq.s32 s7, s2  }
0x1e: {  	s7 =	smul.u32 @!p0 $0xF7A, s2;
	p2 =	seq.s32 @!p0 s5, $0x0  }
0x1f: {  	s9 =	smul.u32 $0xF7A, s1;
	s8 =	simm.s32 @!p0 $0x1BF5;
	p2 =	por !p2, p0  }
0x20: {  	[sflag:s8] =	ssyncset.s32 @!p0 $0xFFFFF086;
	s6 =	sadd.s32 @!p0 s3, s7;
	s7 =	simm.s32 @!p0 $0x108  }
0x21: {  	s3 =	sadd.s32 s3, s9;
	s6 =	sadd.s32 @!p0 $0x88, s6;
	s7 =	simm.s32 @p2 $0x1082  }
0x22: {  	[simem:s7], [sflag:s8] =	dma.local @!p0 [hbm:s6], $0xF7A  }
0x23: {  	s9 =	sor.u32 $0xD0000000, s2;
	s6 =	simm.s32 $0x108;
	_ =	swait.ge @!p0 [sflag:s8], $0x0  }
0x24: {  	s3 =	sadd.s32 $0x88, s3;
	s6 =	simm.s32 @!p1 $0x1082;
	[sflag:s4] =	ssyncset.s32 $0xFFFFF086  }
0x25: {  	[simem:s6], [sflag:s4] =	dma.local [hbm:s3], $0xF7A  }
0x26: {  	[smem:$0x3F9F] =	sst s1;
	(tag) =	ssettag s2;
	_ =	strace s9  }
0x27: {  	s1 =	sld [smem:$0x3FAF]  }
0x28: {  	s2 =	sld [smem:$0x3FB0]  }
0x29: {  	s4 =	sld [smem:$0x3FB2]  }
0x2a: {  	p0 =	seq.s32 s5, $0x0;
	s5 =	sld [smem:$0x3FB3]  }
0x2b: {  	s6 =	sld [smem:$0x3FB4]  }
0x2c: {  	s7 =	sld [smem:$0x3FB5]  }
0x2d: {  	s3 =	simm.s32 $0x108;
	s8 =	sld [smem:$0x3FB6]  }
0x2e: {  	s3 =	simm.s32 @!p0 $0x1082;
	s9 =	sld [smem:$0x3FB7]  }
0x2f: {  	lr =	sadd.s32 s0, s3;
	s0 =	sld [smem:$0x3FAE]  }
0x30: {  	s3 =	sld [smem:$0x3FB1]  }
0x31: {  	[smem:$0x3FBA] =	sst s10  }
0x32: {  	s10 =	sld [smem:$0x3FB8];
	_ =	sdelay $0x3  }
0x33: {  	p0 =	seq.s32 s10, $0x1;
	s10 =	sld [smem:$0x3FBA];
	_ =	sdelay $0x3  }
0x34: {  	[smem:$0x3FBA] =	sst s10  }
0x35: {  	s10 =	sld [smem:$0x3FB9];
	_ =	sdelay $0x3  }
0x36: {  	p1 =	seq.s32 s10, $0x1;
	s10 =	sld [smem:$0x3FBA];
	_ =	sdelay $0x3  }
0x37: {  	[smem:$0x3FBA] =	sst s10  }
0x38: {  	s10 =	sld [smem:$0x3FBB]  }
0x39: {  	_ = 	snop;
	(pc) =	sbr.ind lr, $3  }
0x3a: {  	_ = 	snop  }
0x3b: {  	_ = 	snop  }
0x3c: {  	p2 =	seq.s32 s10, $0x1;
	s10 =	sld [smem:$0x3FBA]  }
0x3d: {  	_ =	shalt  }
0x3e: {  	_ =	shalt  }
0x3f: {  	_ =	shalt  }
0x40: {  	_ =	shalt  }
0x41: {  	_ =	shalt  }
0x42: {  	_ =	shalt  }
0x43: {  	_ =	shalt  }
0x44: {  	_ =	shalt  }
0x45: {  	_ =	shalt  }
0x46: {  	_ =	shalt  }
0x47: {  	_ =	shalt  }
0x48: {  	_ =	shalt  }
0x49: {  	_ =	shalt  }
0x4a: {  	_ =	shalt  }
0x4b: {  	_ =	shalt  }
0x4c: {  	_ =	shalt  }
0x4d: {  	_ =	shalt  }
0x4e: {  	_ =	shalt  }
0x4f: {  	_ =	shalt  }
0x50: {  	_ =	shalt  }
0x51: {  	_ =	shalt  }
0x52: {  	_ =	shalt  }
0x53: {  	_ =	shalt  }
0x54: {  	_ =	shalt  }
0x55: {  	_ =	shalt  }
0x56: {  	_ =	shalt  }
0x57: {  	_ =	shalt  }
0x58: {  	_ =	shalt  }
0x59: {  	_ =	shalt  }
0x5a: {  	_ =	shalt  }
0x5b: {  	_ =	shalt  }
0x5c: {  	_ =	shalt  }
0x5d: {  	_ =	shalt  }
0x5e: {  	_ =	shalt  }
0x5f: {  	_ =	shalt  }
0x60: {  	_ =	shalt  }
0x61: {  	_ =	shalt  }
0x62: {  	_ =	shalt  }
0x63: {  	_ =	shalt  }
0x64: {  	_ =	shalt  }
0x65: {  	_ =	shalt  }
0x66: {  	_ =	shalt  }
0x67: {  	_ =	shalt  }
0x68: {  	_ =	shalt  }
0x69: {  	_ =	shalt  }
0x6a: {  	_ =	shalt  }
0x6b: {  	_ =	shalt  }
0x6c: {  	_ =	shalt  }
0x6d: {  	_ =	shalt  }
0x6e: {  	_ =	shalt  }
0x6f: {  	_ =	shalt  }
0x70: {  	_ =	shalt  }
0x71: {  	_ =	shalt  }
0x72: {  	_ =	shalt  }
0x73: {  	_ =	shalt  }
0x74: {  	_ =	shalt  }
0x75: {  	_ =	shalt  }
0x76: {  	_ =	shalt  }
0x77: {  	_ =	shalt  }
0x78: {  	_ =	shalt  }
0x79: {  	_ =	shalt  }
0x7a: {  	_ =	shalt  }
0x7b: {  	_ =	shalt  }
0x7c: {  	_ =	shalt  }
0x7d: {  	_ =	shalt  }
0x7e: {  	_ =	shalt  }
0x7f: {  	_ =	shalt  }
0x80: {  	_ =	shalt  }
0x81: {  	_ =	shalt  }
0x82: {  	_ =	shalt  }
0x83: {  	_ =	shalt  }
0x84: {  	_ =	shalt  }
0x85: {  	_ =	shalt  }
0x86: {  	_ =	shalt  }
0x87: {  	_ =	shalt  }
.Lfunc_end0:
.L_simem_size_0:
called_computation_lowered:
.L_overlay_start_0:
0x88: {  	s2 =	sld [smem:$0x3FD9]  }
0x89: {  	s3 =	sld [smem:$0x3FFE];
	_ =	sdelay $0x1  }
0x8a: {  	s1 =	srdreg.scid  }
0x8b: {  	s0 =	sand.u32 $0x1, s1  }
0x8c: {  	s17 =	sshll.u32 s0, $0xA;
	s2 =	sadd.s32 s3, s2  }
0x8d: {  	s2 =	sadd.s32 s2, s17  }
0x8e: {  	[smem:$0x3FC6] =	sst s2  }
0x8f: {  	_ = 	snop  }
0x90: {  	s2 =	sld [smem:$0x3FC9]  }
0x91: {  	s18 =	sld [smem:$0x3FD0];
	(tm) =	ssettm $0x1  }
0x92: {  	s4 =	sld [smem:$0x3FFB];
	_ =	sdelay $0x3  }
0x93: {  	_ =	strace s4  }
0x94: {  	s4 =	sld [smem:$0x3FFC];
	_ =	sdelay $0x3  }
0x95: {  	_ =	strace s4  }
0x96: {  	s4 =	sld [smem:$0x3FFD];
	_ =	sdelay $0x3  }
0x97: {  	_ =	strace s4  }
0x98: {  	_ =	strace $0x8FFFFFFF  }
0x99: {  	s19 =	sld [smem:$0x3FDB];
	_ =	sdelay $0x1  }
0x9a: {  	s5 =	simm.s32 $_scs_section_size  }
0x9b: {  	s6 =	simm.s32 $_size__tile_overlayer_lowered;
	s7 =	simm.s32 $_tile_overlayer_lowered  }
0x9c: {  	s22 =	simm.s32 $0x1BFF;
	s21 =	sshll.u32 s7, $0x1;
	s4 =	sadd.s32 s5, s19  }
0x9d: {  	s8 =	simm.s32 $0x0;
	s20 =	sshll.u32 s6, $0x1;
	s6 =	sadd.s32 s21, s4  }
0x9e: {  	[timem:s8], [sflag:s22] =	dma.local [hbm:s6], s20  }
0x9f: {  	_ =	swait.ge [sflag:s22], s20  }
0xa0: {  	s5 =	ssub.s32 $0x0, s20;
	[sflag:s22] =	ssyncset.done $0x0  }
0xa1: {  	[sflag:s22] =	ssyncadd.s32 s5;
	_ =	sdelay $0x1  }
0xa2: {  	s23 =	simm.s32 $0x1B8B  }
0xa3: {  	_ =	swait.ge [sflag:s23], $0x1  }
0xa4: {  	[sflag:s23] =	ssyncset.done $0x0  }
0xa5: {  	s25 =	simm.s32 $0x1B8E;
	s24 =	sld [smem:$0x3FFE];
	[sflag:s23] =	ssyncadd.s32 $0xFFFFFFFF  }
0xa6: {  	s26 =	simm.s32 $execute0_lowered;
	[smem:$0x3FD2] =	sst s25  }
0xa7: {  	s6 =	sshll.u32 s26, $0x1;
	_ =	strace $0x80000046;
	[dreg:$0x1] =	wrdreg $0xFFFFFFFF  }
0xa8: {  	s28 =	simm.s32 $_size_execute0_lowered;
	s4 =	sadd.s32 s4, s6;
	[dreg:$0x0] =	wrdreg $0x0  }
0xa9: {  	s6 =	sshll.u32 s28, $0x1;
	[dreg:$0x2] =	wrdreg s4  }
0xaa: {  	[dreg:$0x3] =	wrdreg s6  }
0xab: {  	[dreg:$0x4] =	wrdreg $0xC0  }
0xac: {  	_ =	task [dreg:s8], $0x5FFFF  }
0xad: {  	[dreg:$0x1] =	wrdreg $0xFFFFFFFF  }
0xae: {  	[dreg:$0x0] =	wrdreg $0x60  }
0xaf: {  	[dreg:$0x2] =	wrdreg s2  }
0xb0: {  	[dreg:$0x3] =	wrdreg s24  }
0xb1: {  	[dreg:$0x4] =	wrdreg s18  }
0xb2: {  	[dreg:$0x5] =	wrdreg $0x9  }
0xb3: {  	_ =	task.clear_ibuf [dreg:s8], $0x6FFFF;
	_ =	strace $0x90000046  }
0xb4: {  	s29 =	simm.s32 $0x9;
	_ =	strace $0x80000048  }
0xb5: {  	_ =	swait.ge [sflag:s29], $0x1  }
0xb6: {  	[sflag:s29] =	ssyncadd.s32 $0xFFFFFFFF  }
0xb7: {  	_ =	strace $0x90000048  }
0xb8: {  	_ =	sfence  }
0xb9: {  	s30 =	sld [smem:$0x0];
	_ =	sdelay $0x2  }
0xba: {  	s31 =	sshll.u32 s1, $0xD;
	s1 =	sshrl.u32 s1, $0x2  }
0xbb: {  	s3 =	sand.u32 $0x4000, s31;
	s1 =	sadd.s32 s1, s30  }
0xbc: {  	s0 =	sor.u32 s3, s0;
	s1 =	sshll.u32 s1, $0x11  }
0xbd: {  	s0 =	sor.u32 s1, s0  }
0xbe: {  	s0 =	sadd.s32 $0x8F2B, s0  }
0xbf: {  	[sflag:s0] =	ssyncadd.remote.s32 $0x1  }
0xc0: {  	_ =	sfence.sel $0xFFFF  }
0xc1: {  	[dreg:$0x0] =	wrdreg $0xFFFFFFFF;
	(pc) =	sbr.abs _section_cstart, $3  }
0xc2: {  	[dreg:$0x1] =	wrdreg $0xFFFFFFFF  }
0xc3: {  	_ =	task.clear_ibuf [dreg:s8], $0x2FFFF;
	_ =	strace $0x9FFFFFFF  }
0xc4: {  	(tm) =	ssettm $0x7FFFFFFF  }
0xc5: {  	_ =	shalt  }
tec
execute0_lowered:
.L_overlay_start_1:
0x0: {  	(tag) =	ssettag $0x1  }
0x1: {  	s1 =	rddreg [dreg:$0x0]  }
0x2: {  	s0 =	rddreg [dreg:$0x1]  }
0x3: {  	s2 =	rddreg [dreg:$0x2]  }
0x4: {  	s4 =	simm.s32 $0x0;
	s3 =	srdreg.scid;
	s5 =	stileid.u32  }
0x5: {  	s14 =	simm.s32 $0x200;
	s15 =	simm.s32 $0x400;
	s16 =	simm.s32 $0x8000  }
0x6: {  	s17 =	simm.s32 $0x4000;
	s18 =	simm.s32 $0xC000;
	s19 =	simm.s32 $0x1  }
0x7: {  	s20 =	simm.s32 $0x10000;
	s21 =	simm.s32 $0x2;
	s3 =	sand.u32 $0x1, s3  }
0x8: {  	s6 =	sshll.u32 s5, $0x11;
	s7 =	ssub.s32 $0x2, s3;
	s3 =	sshll.u32 s3, $0x10  }
0x9: {  	s22 =	simm.s32 $0x14000;
	[smem:$0x7FF] =	sst s4;
	s6 =	sor.u32 s3, s6  }
0xa: {  	s5 =	sadd.s32 $0x400, s0;
	_ =	strace $0x80000047;
	s3 =	sadd.s32 s1, s6  }
0xb: {  	s29 =	sor.u32 $0x40, s6;
	s30 =	sadd.s32 s5, s6;
	[dreg:$0x4] =	wrdreg s3  }
0xc: {  	s28 =	sshrl.u32 s7, $0x1;
	[dreg:$0x5] =	wrdreg s30;
	s31 =	sadd.s32 s1, s29  }
0xd: {  	s0 =	ssub.s32 s7, s28;
	s3 =	sadd.s32 s5, s29;
	[dreg:$0x6] =	wrdreg s31  }
0xe: {  	s11 =	sadd.s32 $0x40, s2;
	s0 =	smax.u32 s0, $0x1;
	[dreg:$0x7] =	wrdreg s3  }
0xf: {  	s12 =	sor.u32 $0x1040, s6;
	[dreg:$0x8] =	wrdreg s0;
	s3 =	simm.s32 $0x0  }
.LBB2_1:
0x10: {  	[dreg:$0x9] =	wrdreg s3  }
0x11: {  	s0 =	rddreg [dreg:$0x4]  }
0x12: {  	[tilespmem:s4], [sflag:$0x1] =	stream.strided.gather [hbm4b:s0+s14], $0x4000, s15, s14, $0x38;
	[tilespmem:$0x18000] =	vst v63  }
0x13: {  	s29 =	rddreg [dreg:$0x5]  }
0x14: {  	[tilespmem:s16], [sflag:$0x1] =	stream.strided.gather [hbm4b:s29+s14], $0x4000, s15, s14, $0x38;
	[tilespmem:$0x18000] =	vst v63  }
0x15: {  	s30 =	rddreg [dreg:$0x6]  }
0x16: {  	[tilespmem:s17], [sflag:$0x2] =	stream.strided.gather [hbm4b:s30+s14], $0x4000, s15, s14, $0x38;
	[tilespmem:$0x18000] =	vst v63  }
0x17: {  	s31 =	rddreg [dreg:$0x7];
	s26 =	simm.s32 $0x0  }
0x18: {  	[tilespmem:s18], [sflag:$0x2] =	stream.strided.gather [hbm4b:s31+s14], $0x4000, s15, s14, $0x38;
	[tilespmem:$0x18000] =	vst v63  }
.LBB2_2:
0x19: {  	_ =	swait.ge [sflag:s19], $0x4000  }
0x1a: {  	[sflag:s19] =	ssyncset.done $0x0  }
0x1b: {  	[sflag:s19] =	ssyncadd.s32 $0xFFFFC000  }
0x1c: {  	_ =	swait.ge [sflag:s19], $0x4000  }
0x1d: {  	p0 =	seq.s32 s26, $0x0;
	[sflag:s19] =	ssyncset.done $0x0  }
0x1e: {  	s0 =	simm.s32 @!p0 $0x3;
	[sflag:s19] =	ssyncadd.s32 $0xFFFFC000  }
0x1f: {  	s3 =	simm.s32 $0x0;
	_ =	swait.ge @!p0 [sflag:s0], $0x4000  }
0x20: {  	s7 =	sand.u32 $0x70, s3;
	s3 =	sand.u32 $0x3E00, s3;
	[sflag:s0] =	ssyncset.done @!p0 $0x0  }
0x21: {  	s31 =	sor.u32 s7, s3;
	[sflag:s0] =	ssyncadd.s32 @!p0 $0xFFFFC000  }
0x22: {  	v0 =	vld [tilespmem:s31+$0x180]  }
0x23: {  	v1 =	vld [tilespmem:s31+$0x8180];
	_ =	sdelay $0x4  }
0x24: {  	v0 =	vmul.f32 v1, v0;
	_ =	sdelay $0x1  }
0x25: {  	v2 =	vld [tilespmem:s31+$0x80];
	(xrf2) =	vadd.scan.msk.f32 $0xffff, v0  }
0x26: {  	v3 =	vld [tilespmem:s31+$0x8080]  }
0x27: {  	v1 =	vld [tilespmem:s31+$0x0]  }
0x28: {  	s9 =	simm.s32 $0x10;
	s10 =	simm.s32 $0x40;
	v0 =	vld [tilespmem:s31+$0x8000]  }
0x29: {  	s3 =	sand.u32 $0x3E00, s10;
	s0 =	sand.u32 $0x70, s9;
	v4 =	vld [tilespmem:s31+$0x100]  }
0x2a: {  	v5 =	vld [tilespmem:s31+$0x8100];
	s29 =	sor.u32 s0, s3  }
0x2b: {  	v6 =	vld [tilespmem:s29+$0x180]  }
0x2c: {  	v7 =	vld [tilespmem:s29+$0x8180]  }
0x2d: {  	v8 =	vld [tilespmem:s29+$0x0];
	v0 =	vmul.f32 v0, v1  }
0x2e: {  	v1 =	vld [tilespmem:s29+$0x8000]  }
0x2f: {  	s13 =	simm.s32 $0x20;
	s23 =	simm.s32 $0x80;
	v9, _, _ =	vpop (xrf2);
	(xrf2) =	vadd.scan.msk.f32 $0xffff, v0  }
0x30: {  	s0 =	sand.u32 $0x70, s13;
	s3 =	sand.u32 $0x3E00, s23;
	v2 =	vmul.f32 v3, v2  }
0x31: {  	s30 =	sor.u32 s0, s3;
	v0 =	vmul.f32 v5, v4  }
0x32: {  	v62 =	vld [tilespmem:s30+$0x8000];
	v4 =	vmul.f32 v7, v6;
	(xrf2) =	vadd.scan.msk.f32 $0xffff, v2  }
0x33: {  	v3 =	vld [tilespmem:s29+$0x80];
	v1 =	vmul.f32 v1, v8;
	(xrf2) =	vadd.scan.msk.f32 $0xffff, v0  }
0x34: {  	s0 =	simm.f32 $0.0e+00;
	v5 =	vld [tilespmem:s29+$0x8100];
	(xrf2) =	vadd.scan.msk.f32 $0xffff, v4  }
0x35: {  	v6 =	vld [tilespmem:s30+$0x8180];
	(v2sf) =	vpush v9, $0xF;
	(xrf2) =	vadd.scan.msk.f32 $0xffff, v1;
	v1 =	vadd.f32 s0, v9  }
0x36: {  	v2 =	vld [tilespmem:s29+$0x8080]  }
0x37: {  	v0 =	vld [tilespmem:s29+$0x100]  }
0x38: {  	v7 =	vld [tilespmem:s30+$0x0]  }
0x39: {  	v4 =	vld [tilespmem:s30+$0x180];
	[tilespmem:s31+$0x10180] =	vst v1;
	v1, _, _ =	vpop (xrf2)  }
0x3a: {  	(v2sf) =	vpush v1, $0xF;
	_ =	sdelay $0x1  }
0x3b: {  	v2 =	vmul.f32 v2, v3;
	v0 =	vmul.f32 v5, v0;
	v5, _, _ =	vpop (xrf2)  }
0x3c: {  	(v2sf) =	vpush v5, $0xF  }
0x3d: {  	(xrf2) =	vadd.scan.msk.f32 $0xffff, v2  }
0x3e: {  	v4 =	vmul.f32 v6, v4;
	v6, _, _ =	vpop (xrf2)  }
0x3f: {  	v63 =	vld [tilespmem:s30+$0x80];
	v3 =	vadd.f32 s0, v1;
	(v2sf) =	vpush v6, $0xF  }
0x40: {  	v10 =	vld [tilespmem:s30+$0x8080];
	(xrf2) =	vadd.scan.msk.f32 $0xffff, v0  }
0x41: {  	v1 =	vld [tilespmem:s30+$0x100];
	[tilespmem:s31+$0x10000] =	vst v3;
	v2, _, _ =	vpop (xrf2)  }
0x42: {  	v3 =	vld [tilespmem:s30+$0x8100];
	(v2sf) =	vpush v2, $0xF;
	v0, _, _ =	vpop (xrf2)  }
0x43: {  	s10 =	simm.s32 $0xC0;
	v5 =	vadd.f32 s0, v5;
	(xrf2) =	vadd.scan.msk.f32 $0xffff, v4;
	s8 =	spop (v2sf);
	(v2sf) =	vpush v0, $0xF  }
0x44: {  	s24 =	simm.s32 $0x30;
	s28 =	sshll.u32 s26, $0x1;
	s25 =	sand.u32 $0x3E00, s10;
	v7 =	vmul.f32 v62, v7  }
0x45: {  	s9 =	simm.f32 $0.0e+00;
	s13 =	simm.s32 $0x40;
	s3 =	sand.u32 $0x70, s24;
	[tilespmem:s31+$0x10080] =	vst v5;
	v5 =	vadd.f32 s0, v6  }
0x46: {  	s3 =	sor.u32 s3, s25;
	v4 =	vmul.f32 v10, v63;
	(xrf2) =	vadd.scan.msk.f32 $0xffff, v7;
	s7 =	sadd.f32 s8, s0;
	s8 =	simm.f32 $0.0e+00  }
.LBB2_3:
0x47: {  	p1 =	sne.s32 s13, $0xFF0;
	v6 =	vld [tilespmem:s3+$0x180];
	v1 =	vmul.f32 v3, v1;
	v7, _, _ =	vpop (xrf2);
	[tilespmem:s31+$0x10100] =	vst v5;
	s31 =	smov.u32 s29;
	s29 =	smov.u32 s30  }
0x48: {  	s30 =	smov.u32 s3;
	v3 =	vld [tilespmem:s3+$0x8180];
	v2 =	vadd.f32 s7, v2;
	(v2sf) =	vpush v7, $0xF;
	s23 =	spop (v2sf)  }
0x49: {  	v5 =	vld [tilespmem:s30+$0x0];
	(xrf2) =	vadd.scan.msk.f32 $0xffff, v4;
	s0 =	sadd.f32 s23, s0  }
0x4a: {  	v4 =	vld [tilespmem:s30+$0x8000];
	[tilespmem:s31+$0x10180] =	vst v2;
	v8, _, _ =	vpop (xrf2)  }
0x4b: {  	v9 =	vld [tilespmem:s30+$0x80];
	v0 =	vadd.f32 s0, v0;
	(v2sf) =	vpush v8, $0xF;
	s3 =	spop (v2sf)  }
0x4c: {  	v10 =	vld [tilespmem:s30+$0x8080];
	(xrf2) =	vadd.scan.msk.f32 $0xffff, v1;
	s9 =	sadd.f32 s3, s9  }
0x4d: {  	v1 =	vld [tilespmem:s30+$0x100];
	v6 =	vmul.f32 v3, v6;
	v2, _, _ =	vpop (xrf2);
	[tilespmem:s31+$0x10000] =	vst v0  }
.Ltmp0:
0x4e: {  	v3 =	vld [tilespmem:s30+$0x8100];
	(v2sf) =	vpush v2, $0xF;
	v7 =	vadd.f32 s9, v7;
	s3 =	spop (v2sf);
	(pc) =	sbr.rel @p1 .LBB2_3-.Ltmp0, $4  }
0x4f: {  	v11 =	vmul.f32 v4, v5;
	(xrf2) =	vadd.scan.msk.f32 $0xffff, v6;
	s8 =	sadd.f32 s3, s8  }
0x50: {  	s10 =	sadd.s32 $0x40, s10;
	v0, _, _ =	vpop (xrf2);
	[tilespmem:s31+$0x10080] =	vst v7  }
0x51: {  	s23 =	sand.u32 $0x3E00, s10;
	s3 =	sand.u32 $0x70, s13;
	v4 =	vmul.f32 v10, v9;
	(v2sf) =	vpush v0, $0xF;
	v5 =	vadd.f32 s8, v8;
	s24 =	spop (v2sf)  }
0x52: {  	s13 =	sadd.s32 $0x10, s13;
	s3 =	sor.u32 s3, s23;
	(xrf2) =	vadd.scan.msk.f32 $0xffff, v11;
	s7 =	sadd.f32 s24, s7  }
0x53: {  	v1 =	vmul.f32 v3, v1  }
0x54: {  	(xrf2) =	vadd.scan.msk.f32 $0xffff, v4  }
0x55: {  	v6 =	vld [tilespmem:s3+$0x180];
	[tilespmem:s31+$0x10100] =	vst v5;
	(xrf2) =	vadd.scan.msk.f32 $0xffff, v1  }
0x56: {  	s10 =	spop (v2sf);
	v3 =	vld [tilespmem:s3+$0x8180];
	v1 =	vadd.f32 s7, v2  }
0x57: {  	v4 =	vld [tilespmem:s3+$0x8000];
	s0 =	sadd.f32 s10, s0  }
0x58: {  	v2 =	vld [tilespmem:s3+$0x0];
	[tilespmem:s29+$0x10180] =	vst v1  }
0x59: {  	v5, _, _ =	vpop (xrf2);
	v0 =	vadd.f32 s0, v0;
	v1 =	vld [tilespmem:s3+$0x80]  }
0x5a: {  	(v2sf) =	vpush v5, $0xF;
	v8, _, _ =	vpop (xrf2);
	v7 =	vld [tilespmem:s3+$0x8080]  }
0x5b: {  	(v2sf) =	vpush v8, $0xF;
	v9 =	vld [tilespmem:s3+$0x100];
	[tilespmem:s29+$0x10000] =	vst v0  }
0x5c: {  	v10, _, _ =	vpop (xrf2);
	v0 =	vld [tilespmem:s3+$0x8100]  }
0x5d: {  	v3 =	vmul.f32 v3, v6;
	(v2sf) =	vpush v10, $0xF;
	v11, _, _ =	vpop (xrf2)  }
0x5e: {  	v2 =	vmul.f32 v4, v2;
	(v2sf) =	vpush v11, $0xF;
	v6, _, _ =	vpop (xrf2)  }
0x5f: {  	(xrf2) =	vadd.scan.msk.f32 $0xffff, v3;
	v1 =	vmul.f32 v7, v1;
	(v2sf) =	vpush v6, $0xF;
	v4, _, _ =	vpop (xrf2)  }
0x60: {  	(xrf2) =	vadd.scan.msk.f32 $0xffff, v2;
	(v2sf) =	vpush v4, $0xF  }
0x61: {  	v0 =	vmul.f32 v0, v9;
	(xrf2) =	vadd.scan.msk.f32 $0xffff, v1;
	_ =	sdelay $0x1  }
0x62: {  	(xrf2) =	vadd.scan.msk.f32 $0xffff, v0;
	_ =	sdelay $0x1  }
0x63: {  	s23 =	spop (v2sf)  }
0x64: {  	s9 =	sadd.f32 s23, s9;
	s13 =	spop (v2sf)  }
0x65: {  	s8 =	sadd.f32 s13, s8;
	s24 =	spop (v2sf)  }
0x66: {  	s7 =	sadd.f32 s24, s7;
	s25 =	spop (v2sf);
	v0 =	vadd.f32 s9, v5  }
0x67: {  	v1 =	vadd.f32 s8, v8;
	s0 =	sadd.f32 s25, s0;
	s23 =	spop (v2sf);
	v2, _, _ =	vpop (xrf2)  }
0x68: {  	[tilespmem:s29+$0x10080] =	vst v0;
	v0 =	vadd.f32 s7, v10;
	s9 =	sadd.f32 s23, s9;
	(v2sf) =	vpush v2, $0xF;
	s24 =	spop (v2sf);
	v3, _, _ =	vpop (xrf2)  }
0x69: {  	[tilespmem:s29+$0x10100] =	vst v1;
	v1 =	vadd.f32 s0, v11;
	s8 =	sadd.f32 s24, s8;
	(v2sf) =	vpush v3, $0xF;
	v5, _, _ =	vpop (xrf2)  }
0x6a: {  	[tilespmem:s30+$0x10180] =	vst v0;
	s25 =	spop (v2sf);
	(v2sf) =	vpush v5, $0xF  }
0x6b: {  	[tilespmem:s30+$0x10000] =	vst v1;
	v0 =	vadd.f32 s9, v6;
	v1 =	vadd.f32 s8, v4;
	s7 =	sadd.f32 s25, s7;
	v4, _, _ =	vpop (xrf2);
	s13 =	spop (v2sf)  }
0x6c: {  	(v2sf) =	vpush v4, $0xF;
	s0 =	sadd.f32 s13, s0;
	s23 =	spop (v2sf)  }
0x6d: {  	[tilespmem:s30+$0x10080] =	vst v0;
	v0 =	vadd.f32 s7, v2;
	s24 =	sadd.f32 s23, s9;
	s25 =	spop (v2sf)  }
0x6e: {  	[tilespmem:s30+$0x10100] =	vst v1;
	v1 =	vadd.f32 s0, v3;
	s8 =	sadd.f32 s25, s8  }
0x6f: {  	[tilespmem:s3+$0x10180] =	vst v0;
	v0 =	vadd.f32 s24, v5  }
0x70: {  	s9 =	sshll.u32 s26, $0xC;
	[tilespmem:s3+$0x10000] =	vst v1;
	v1 =	vadd.f32 s8, v4  }
0x71: {  	s29 =	sadd.s32 s6, s9;
	[tilespmem:s3+$0x10080] =	vst v0  }
0x72: {  	s10 =	smin.u32 s28, $0x1D;
	s0 =	sadd.s32 s2, s29;
	[tilespmem:s3+$0x10100] =	vst v1  }
0x73: {  	[hbm4b:s0+s14] =	stream.strided.scatter [tilespmem:s20], [sflag:$0x3], $0x4000, s15, s14, $0x38;
	[tilespmem:$0x18000] =	vst v63  }
0x74: {  	s0 =	sadd.s32 $0x2, s10  }
0x75: {  	s13 =	sshll.u32 s0, $0xB  }
0x76: {  	s0 =	sshll.u32 s0, $0x6;
	s3 =	sadd.s32 s6, s13  }
0x77: {  	s23 =	spop (v2sf);
	s0 =	sand.u32 $0x40, s0;
	s3 =	sand.u32 $0x3FF000, s3  }
0x78: {  	s24 =	spop (v2sf);
	s0 =	sor.u32 s0, s3  }
0x79: {  	s25 =	spop (v2sf);
	s3 =	sadd.s32 s1, s0  }
0x7a: {  	[tilespmem:s4], [sflag:$0x1] =	stream.strided.gather [hbm4b:s3+s14], $0x4000, s15, s14, $0x38;
	[tilespmem:$0x18000] =	vst v63  }
0x7b: {  	s7 =	spop (v2sf);
	s0 =	sadd.s32 s5, s0  }
0x7c: {  	[tilespmem:s16], [sflag:$0x1] =	stream.strided.gather [hbm4b:s0+s14], $0x4000, s15, s14, $0x38;
	[tilespmem:$0x18000] =	vst v63  }
0x7d: {  	_ =	swait.ge [sflag:s21], $0x4000  }
0x7e: {  	[sflag:s21] =	ssyncset.done $0x0  }
0x7f: {  	[sflag:s21] =	ssyncadd.s32 $0xFFFFC000  }
0x80: {  	_ =	swait.ge [sflag:s21], $0x4000  }
0x81: {  	[sflag:s21] =	ssyncset.done $0x0  }
0x82: {  	s0 =	simm.s32 @!p0 $0x4;
	[sflag:s21] =	ssyncadd.s32 $0xFFFFC000  }
0x83: {  	s3 =	simm.s32 $0x0;
	_ =	swait.ge @!p0 [sflag:s0], $0x4000  }
0x84: {  	s7 =	sand.u32 $0x70, s3;
	s3 =	sand.u32 $0x3E00, s3;
	[sflag:s0] =	ssyncset.done @!p0 $0x0  }
0x85: {  	[sflag:s0] =	ssyncadd.s32 @!p0 $0xFFFFC000;
	s0 =	sor.u32 s7, s3  }
0x86: {  	v0 =	vld [tilespmem:s0+$0x4180]  }
0x87: {  	v1 =	vld [tilespmem:s0+$0xC180];
	_ =	sdelay $0x4  }
0x88: {  	v0 =	vmul.f32 v1, v0  }
0x89: {  	v1 =	vld [tilespmem:s0+$0x4000]  }
0x8a: {  	(xrf2) =	vadd.scan.msk.f32 $0xffff, v0;
	v0 =	vld [tilespmem:s0+$0xC000];
	_ =	sdelay $0x1  }
0x8b: {  	v2 =	vld [tilespmem:s0+$0x4080]  }
0x8c: {  	s9 =	simm.s32 $0x40;
	s8 =	simm.s32 $0x10;
	v3 =	vld [tilespmem:s0+$0xC080]  }
0x8d: {  	s3 =	sand.u32 $0x70, s8;
	s7 =	sand.u32 $0x3E00, s9;
	v4 =	vld [tilespmem:s0+$0x4100]  }
0x8e: {  	v5 =	vld [tilespmem:s0+$0xC100];
	s30 =	sor.u32 s3, s7;
	v0 =	vmul.f32 v0, v1  }
0x8f: {  	s10 =	simm.s32 $0x20;
	s13 =	simm.s32 $0x80;
	v6 =	vld [tilespmem:s30+$0x4180]  }
0x90: {  	s3 =	sand.u32 $0x70, s10;
	s7 =	sand.u32 $0x3E00, s13;
	v7 =	vld [tilespmem:s30+$0xC180];
	(xrf2) =	vadd.scan.msk.f32 $0xffff, v0  }
0x91: {  	v59 =	vld [tilespmem:s30+$0x4000];
	s31 =	sor.u32 s3, s7;
	v2 =	vmul.f32 v3, v2  }
0x92: {  	v61 =	vld [tilespmem:s31+$0xC000]  }
0x93: {  	v1 =	vld [tilespmem:s30+$0xC000];
	(xrf2) =	vadd.scan.msk.f32 $0xffff, v2  }
0x94: {  	v3 =	vld [tilespmem:s30+$0x4080];
	v0 =	vmul.f32 v5, v4  }
0x95: {  	s3 =	simm.f32 $0.0e+00;
	v5 =	vld [tilespmem:s30+$0xC100];
	v60, _, _ =	vpop (xrf2)  }
0x96: {  	v4 =	vmul.f32 v7, v6;
	v7 =	vld [tilespmem:s31+$0x4000];
	(xrf2) =	vadd.scan.msk.f32 $0xffff, v0;
	(v2sf) =	vpush v60, $0xF;
	v6 =	vadd.f32 s3, v60  }
0x97: {  	v2 =	vld [tilespmem:s30+$0xC080]  }
0x98: {  	v0 =	vld [tilespmem:s30+$0x4100];
	v1 =	vmul.f32 v1, v59  }
0x99: {  	(xrf2) =	vadd.scan.msk.f32 $0xffff, v4;
	v4 =	vld [tilespmem:s31+$0xC180]  }
0x9a: {  	(xrf2) =	vadd.scan.msk.f32 $0xffff, v1;
	v1 =	vld [tilespmem:s31+$0x4180];
	[tilespmem:s0+$0x14180] =	vst v6;
	v6, _, _ =	vpop (xrf2)  }
0x9b: {  	(v2sf) =	vpush v6, $0xF;
	_ =	sdelay $0x1  }
0x9c: {  	v2 =	vmul.f32 v2, v3;
	v0 =	vmul.f32 v5, v0;
	v5, _, _ =	vpop (xrf2)  }
0x9d: {  	(v2sf) =	vpush v5, $0xF  }
0x9e: {  	(xrf2) =	vadd.scan.msk.f32 $0xffff, v2  }
0x9f: {  	v3 =	vadd.f32 s3, v6;
	v6, _, _ =	vpop (xrf2)  }
0xa0: {  	v62 =	vld [tilespmem:s31+$0x4080];
	(v2sf) =	vpush v6, $0xF  }
0xa1: {  	v63 =	vld [tilespmem:s31+$0xC080];
	(xrf2) =	vadd.scan.msk.f32 $0xffff, v0  }
0xa2: {  	v2 =	vld [tilespmem:s31+$0x4100];
	v4 =	vmul.f32 v4, v1;
	[tilespmem:s0+$0x14000] =	vst v3;
	v1, _, _ =	vpop (xrf2)  }
0xa3: {  	v3 =	vld [tilespmem:s31+$0xC100];
	(v2sf) =	vpush v1, $0xF;
	v0, _, _ =	vpop (xrf2)  }
0xa4: {  	v5 =	vadd.f32 s3, v5;
	(xrf2) =	vadd.scan.msk.f32 $0xffff, v4;
	s25 =	spop (v2sf);
	(v2sf) =	vpush v0, $0xF  }
0xa5: {  	s23 =	simm.s32 $0x30;
	s9 =	simm.f32 $0.0e+00;
	s13 =	simm.s32 $0xC0;
	v7 =	vmul.f32 v61, v7  }
0xa6: {  	s10 =	simm.f32 $0.0e+00;
	s7 =	sand.u32 $0x70, s23;
	s24 =	sand.u32 $0x3E00, s13;
	[tilespmem:s0+$0x14080] =	vst v5;
	v5 =	vadd.f32 s3, v6  }
0xa7: {  	s23 =	simm.s32 $0x40;
	s7 =	sor.u32 s7, s24;
	v4 =	vmul.f32 v63, v62;
	(xrf2) =	vadd.scan.msk.f32 $0xffff, v7;
	s8 =	sadd.f32 s25, s3  }
.LBB2_5:
0xa8: {  	p0 =	sne.s32 s23, $0xFF0;
	v6 =	vld [tilespmem:s7+$0x4180];
	v2 =	vmul.f32 v3, v2;
	v7, _, _ =	vpop (xrf2);
	[tilespmem:s0+$0x14100] =	vst v5;
	s0 =	smov.u32 s30;
	s30 =	smov.u32 s31  }
0xa9: {  	s31 =	smov.u32 s7;
	v3 =	vld [tilespmem:s7+$0xC180];
	v1 =	vadd.f32 s8, v1;
	(v2sf) =	vpush v7, $0xF;
	s24 =	spop (v2sf)  }
0xaa: {  	v5 =	vld [tilespmem:s31+$0x4000];
	(xrf2) =	vadd.scan.msk.f32 $0xffff, v4;
	s3 =	sadd.f32 s24, s3  }
0xab: {  	v4 =	vld [tilespmem:s31+$0xC000];
	[tilespmem:s0+$0x14180] =	vst v1;
	v8, _, _ =	vpop (xrf2)  }
0xac: {  	v9 =	vld [tilespmem:s31+$0x4080];
	v0 =	vadd.f32 s3, v0;
	(v2sf) =	vpush v8, $0xF;
	s7 =	spop (v2sf)  }
0xad: {  	v10 =	vld [tilespmem:s31+$0xC080];
	(xrf2) =	vadd.scan.msk.f32 $0xffff, v2;
	s10 =	sadd.f32 s7, s10  }
0xae: {  	v2 =	vld [tilespmem:s31+$0x4100];
	v6 =	vmul.f32 v3, v6;
	v1, _, _ =	vpop (xrf2);
	[tilespmem:s0+$0x14000] =	vst v0  }
.Ltmp1:
0xaf: {  	v3 =	vld [tilespmem:s31+$0xC100];
	(v2sf) =	vpush v1, $0xF;
	v7 =	vadd.f32 s10, v7;
	s7 =	spop (v2sf);
	(pc) =	sbr.rel @p0 .LBB2_5-.Ltmp1, $4  }
0xb0: {  	v11 =	vmul.f32 v4, v5;
	(xrf2) =	vadd.scan.msk.f32 $0xffff, v6;
	s9 =	sadd.f32 s7, s9  }
0xb1: {  	s13 =	sadd.s32 $0x40, s13;
	v0, _, _ =	vpop (xrf2);
	[tilespmem:s0+$0x14080] =	vst v7  }
0xb2: {  	s24 =	sand.u32 $0x3E00, s13;
	s7 =	sand.u32 $0x70, s23;
	v4 =	vmul.f32 v10, v9;
	(v2sf) =	vpush v0, $0xF;
	v5 =	vadd.f32 s9, v8;
	s25 =	spop (v2sf)  }
0xb3: {  	s23 =	sadd.s32 $0x10, s23;
	s7 =	sor.u32 s7, s24;
	(xrf2) =	vadd.scan.msk.f32 $0xffff, v11;
	s8 =	sadd.f32 s25, s8  }
0xb4: {  	v2 =	vmul.f32 v3, v2;
	v44 =	vld [tilespmem:s7+$0x4180];
	[tilespmem:s0+$0x14100] =	vst v5  }
0xb5: {  	(xrf2) =	vadd.scan.msk.f32 $0xffff, v4;
	s25 =	spop (v2sf);
	v45 =	vld [tilespmem:s7+$0xC180];
	v1 =	vadd.f32 s8, v1  }
0xb6: {  	v46 =	vld [tilespmem:s7+$0x4000];
	s0 =	sadd.f32 s25, s3;
	(xrf2) =	vadd.scan.msk.f32 $0xffff, v2  }
0xb7: {  	v5 =	vld [tilespmem:s7+$0xC000];
	[tilespmem:s30+$0x14180] =	vst v1  }
0xb8: {  	v0 =	vadd.f32 s0, v0;
	v6 =	vld [tilespmem:s7+$0x4080]  }
0xb9: {  	v47, _, _ =	vpop (xrf2);
	v8 =	vld [tilespmem:s7+$0xC080]  }
0xba: {  	(v2sf) =	vpush v47, $0xF;
	v9 =	vld [tilespmem:s7+$0x4100];
	[tilespmem:s30+$0x14000] =	vst v0  }
0xbb: {  	v11 =	vld [tilespmem:s7+$0xC100];
	v2 =	vmul.f32 v45, v44  }
0xbc: {  	v7, _, _ =	vpop (xrf2);
	v4 =	vmul.f32 v5, v46  }
0xbd: {  	(v2sf) =	vpush v7, $0xF;
	v10, _, _ =	vpop (xrf2);
	(xrf2) =	vadd.scan.msk.f32 $0xffff, v2  }
0xbe: {  	(v2sf) =	vpush v10, $0xF;
	v48, _, _ =	vpop (xrf2);
	v50 =	vmul.f32 v8, v6;
	(xrf2) =	vadd.scan.msk.f32 $0xffff, v4  }
0xbf: {  	(v2sf) =	vpush v48, $0xF;
	v12, _, _ =	vpop (xrf2)  }
0xc0: {  	(v2sf) =	vpush v12, $0xF;
	v51 =	vmul.f32 v11, v9;
	(xrf2) =	vadd.scan.msk.f32 $0xffff, v50;
	v49, _, _ =	vpop (xrf2)  }
0xc1: {  	(v2sf) =	vpush v49, $0xF  }
0xc2: {  	(xrf2) =	vadd.scan.msk.f32 $0xffff, v51;
	_ =	sdelay $0x2  }
0xc3: {  	s13 =	spop (v2sf)  }
0xc4: {  	s23 =	spop (v2sf)  }
0xc5: {  	s24 =	spop (v2sf);
	v54, _, _ =	vpop (xrf2)  }
0xc6: {  	s3 =	sadd.f32 s13, s10;
	s25 =	spop (v2sf);
	(v2sf) =	vpush v54, $0xF;
	v56, _, _ =	vpop (xrf2)  }
0xc7: {  	s9 =	sadd.f32 s23, s9;
	s13 =	spop (v2sf);
	(v2sf) =	vpush v56, $0xF  }
0xc8: {  	v1 =	vadd.f32 s3, v47;
	s8 =	sadd.f32 s24, s8;
	v58, _, _ =	vpop (xrf2)  }
0xc9: {  	v52 =	vadd.f32 s9, v7;
	s0 =	sadd.f32 s25, s0;
	(v2sf) =	vpush v58, $0xF  }
0xca: {  	[tilespmem:s30+$0x14080] =	vst v1;
	v53 =	vadd.f32 s8, v10;
	s3 =	sadd.f32 s13, s3;
	s23 =	spop (v2sf);
	v60, _, _ =	vpop (xrf2)  }
0xcb: {  	[tilespmem:s30+$0x14100] =	vst v52;
	v0 =	vadd.f32 s0, v48;
	s9 =	sadd.f32 s23, s9;
	s24 =	spop (v2sf);
	(v2sf) =	vpush v60, $0xF  }
0xcc: {  	[tilespmem:s31+$0x14180] =	vst v53;
	v55 =	vadd.f32 s3, v12;
	s8 =	sadd.f32 s24, s8;
	s25 =	spop (v2sf)  }
0xcd: {  	[tilespmem:s31+$0x14000] =	vst v0;
	v57 =	vadd.f32 s9, v49;
	s0 =	sadd.f32 s25, s0;
	s30 =	spop (v2sf)  }
0xce: {  	[tilespmem:s31+$0x14080] =	vst v55;
	v59 =	vadd.f32 s8, v54;
	s3 =	sadd.f32 s30, s3;
	s10 =	spop (v2sf)  }
0xcf: {  	[tilespmem:s31+$0x14100] =	vst v57;
	v61 =	vadd.f32 s0, v56;
	s13 =	sadd.f32 s10, s9  }
0xd0: {  	[tilespmem:s7+$0x14180] =	vst v59;
	v62 =	vadd.f32 s3, v58  }
0xd1: {  	[tilespmem:s7+$0x14000] =	vst v61;
	v63 =	vadd.f32 s13, v60  }
0xd2: {  	s24 =	smin.u32 s28, $0x1C;
	[tilespmem:s7+$0x14080] =	vst v62  }
0xd3: {  	s26 =	sadd.s32 $0x1, s26;
	s23 =	sadd.s32 s29, s11;
	s0 =	sshll.u32 s24, $0xB;
	[tilespmem:s7+$0x14100] =	vst v63  }
0xd4: {  	[hbm4b:s23+s14] =	stream.strided.scatter [tilespmem:s22], [sflag:$0x4], $0x4000, s15, s14, $0x38;
	[tilespmem:$0x18000] =	vst v63  }
0xd5: {  	p0 =	sne.s32 s26, $0x10;
	s0 =	sadd.s32 s0, s12;
	s28 =	spop (v2sf)  }
.Ltmp2:
0xd6: {  	s25 =	sadd.s32 s1, s0;
	s29 =	spop (v2sf);
	(pc) =	sbr.rel @p0 .LBB2_2-.Ltmp2, $4  }
0xd7: {  	[tilespmem:s17], [sflag:$0x2] =	stream.strided.gather [hbm4b:s25+s14], $0x4000, s15, s14, $0x38;
	[tilespmem:$0x18000] =	vst v63  }
0xd8: {  	s0 =	sadd.s32 s5, s0;
	s30 =	spop (v2sf)  }
0xd9: {  	[tilespmem:s18], [sflag:$0x2] =	stream.strided.gather [hbm4b:s0+s14], $0x4000, s15, s14, $0x38;
	[tilespmem:$0x18000] =	vst v63  }
0xda: {  	s31 =	spop (v2sf)  }
0xdb: {  	s0 =	simm.s32 $0x3  }
0xdc: {  	_ =	swait.ge [sflag:s0], $0x4000  }
0xdd: {  	[sflag:s0] =	ssyncset.done $0x0  }
0xde: {  	s30 =	simm.s32 $0x4;
	[sflag:s0] =	ssyncadd.s32 $0xFFFFC000  }
0xdf: {  	_ =	swait.ge [sflag:s30], $0x4000  }
0xe0: {  	[sflag:s30] =	ssyncset.done $0x0  }
0xe1: {  	[sflag:s30] =	ssyncadd.s32 $0xFFFFC000  }
0xe2: {  	_ =	swait.ge [sflag:s19], $0x4000  }
0xe3: {  	[sflag:s19] =	ssyncset.done $0x0  }
0xe4: {  	[sflag:s19] =	ssyncadd.s32 $0xFFFFC000  }
0xe5: {  	_ =	swait.ge [sflag:s19], $0x4000  }
0xe6: {  	[sflag:s19] =	ssyncset.done $0x0  }
0xe7: {  	[sflag:s19] =	ssyncadd.s32 $0xFFFFC000  }
0xe8: {  	_ =	swait.ge [sflag:s21], $0x4000  }
0xe9: {  	[sflag:s21] =	ssyncset.done $0x0  }
0xea: {  	[sflag:s21] =	ssyncadd.s32 $0xFFFFC000  }
0xeb: {  	_ =	swait.ge [sflag:s21], $0x4000  }
0xec: {  	s3 =	rddreg [dreg:$0x9]  }
0xed: {  	s31 =	rddreg [dreg:$0x8];
	s3 =	sadd.s32 $0x1, s3  }
0xee: {  	p0 =	sne.s32 s3, s31  }
.Ltmp3:
0xef: {  	_ = 	snop;
	(pc) =	sbr.rel @p0 .LBB2_1-.Ltmp3, $3  }
0xf0: {  	_ =	sdelay $0x1  }
0xf1: {  	[sflag:s21] =	ssyncset.done $0x0  }
0xf2: {  	[sflag:s21] =	ssyncadd.s32 $0xFFFFC000  }
0xf3: {  	_ =	sfence.sel $0x180000  }
0xf4: {  	[bflag:$0x0] =	sbarrier.arrive $0xFFFF  }
0xf5: {  	_ =	strace $0x90000047  }
0xf6: {  	s0 =	stileid.u32;
	[bflag:$0x2] =	sbarrier.arrive $0xFFFF  }
0xf7: {  	p0 =	sne.s32 s0, $0x0;
	s0 =	rddreg [dreg:$0x3]  }
0xf8: {  	s0 =	sadd.s32 @!p0 $0x100000, s0  }
0xf9: {  	[sflag:s0] =	ssyncadd.tile.s32 @!p0 $0x1;
	_ =	shalt  }
.Lfunc_end2:
_tile_overlayer_lowered:
.L_overlay_start_2:
0xfa: {  	(tag) =	ssettag $0x2  }
0xfb: {  	s0 =	rddreg [dreg:$0x0];
	s2 =	stileid.u32  }
0xfc: {  	s1 =	rddreg [dreg:$0x1];
	p0 =	sne.s32 s2, $0x0  }
0xfd: {  	s3 =	rddreg [dreg:$0x2];
	[bflag:$0x3] =	sbarrier.arrive $0xFFFF;
	s2 =	simm.s32 @!p0 $0x1C05  }
0xfe: {  	[timem:s3], [sflag:s2] =	dma.local @!p0 [hbm:s0], s1  }
0xff: {  	s0 =	simm.s32 @!p0 $0x5  }
0x100: {  	_ =	swait.ge @!p0 [sflag:s0], s1  }
0x101: {  	s1 =	ssub.s32 @!p0 $0x0, s1;
	[sflag:s0] =	ssyncset.done @!p0 $0x0  }
0x102: {  	[sflag:s0] =	ssyncadd.s32 @!p0 s1  }
0x103: {  	[bflag:$0x3] =	sbarrier.arrive $0xFFFF  }
0x104: {  	_ =	shalt  }

</sc_bundles>
